<compile_context>
chip_gen: v7x
topology: tpu7x:2x2x1
jax: 0.10.2.dev20260603
libtpu: 0.0.44.dev20260713+nightly
codegen_flags: <defaults>
</compile_context>

<pallas_src>
import functools

import jax
import jax.numpy as jnp
from jax import lax
from jax.experimental import pallas as pl
from jax.experimental.pallas import tpu as pltpu
from jax.experimental.pallas import tpu_sc as plsc

_BR = 32
_NC, _NS = 2, 16
_NW = _NC * _NS
_TBR = 1024


def _copy_table(src, dst, wid, bufs, rsems, wsems):
    L, T, D = src.shape
    bulk = (T // _BR) * _BR
    blocks_per_layer = bulk // _BR
    nblk = L * blocks_per_layer
    nbuf = len(bufs)
    niter = -(-nblk // _NW)

    def slices(b):
        layer = b // blocks_per_layer
        off = (b % blocks_per_layer) * _BR
        return src.at[layer, pl.ds(off, _BR)], dst.at[layer, pl.ds(off, _BR)]

    def start_read(v, k):
        b = wid + v * _NW

        @pl.when(b < nblk)
        def _():
            s, _ = slices(b)
            pltpu.async_copy(s, bufs[k], rsems[k])

    for k in range(nbuf):
        start_read(k, k)

    @pl.loop(0, niter, step=nbuf)
    def _visit(i):
        for k in range(nbuf):
            v = i + k
            b = wid + v * _NW

            @pl.when(b < nblk)
            def _(k=k, b=b):
                s, d = slices(b)
                pltpu.make_async_copy(s, bufs[k], rsems[k]).wait()
                pltpu.async_copy(bufs[k], d, wsems[k])

            kp = (k - 1) % nbuf
            vp = v - 1
            bp = wid + vp * _NW

            @pl.when(jnp.logical_and(vp >= 0, bp < nblk))
            def _(kp=kp, vp=vp, bp=bp):
                _, dp = slices(bp)
                pltpu.make_async_copy(bufs[kp], dp, wsems[kp]).wait()
                start_read(vp + nbuf, kp)

    vl = niter - 1
    kl = vl % nbuf
    bl = wid + vl * _NW

    @pl.when(bl < nblk)
    def _():
        _, dl = slices(bl)
        pltpu.make_async_copy(bufs[kl], dl, wsems[kl]).wait()


def _copy_tails(tables, wid, buf, rsem, wsem):
    for t, (src, dst) in enumerate(tables):
        L, T, D = src.shape
        bulk = (T // _BR) * _BR
        tail = T - bulk
        if tail == 0:
            continue
        for layer in range(L):
            u = (t * L + layer) % _NW

            @pl.when(wid == u)
            def _(src=src, dst=dst, layer=layer):
                tb = buf.at[pl.ds(0, tail)]
                pltpu.make_async_copy(
                    src.at[layer, pl.ds(bulk, tail)], tb, rsem
                ).start()
                pltpu.make_async_copy(
                    src.at[layer, pl.ds(bulk, tail)], tb, rsem
                ).wait()
                pltpu.make_async_copy(
                    tb, dst.at[layer, pl.ds(bulk, tail)], wsem
                ).start()
                pltpu.make_async_copy(
                    tb, dst.at[layer, pl.ds(bulk, tail)], wsem
                ).wait()


def _sc_copy(table):
    L, T, D = table.shape
    mesh = plsc.VectorSubcoreMesh(
        core_axis_name="c", subcore_axis_name="s", num_cores=_NC
    )

    @functools.partial(
        pl.kernel,
        mesh=mesh,
        out_type=jax.ShapeDtypeStruct((L, T, D), table.dtype),
        scratch_types=[
            pltpu.VMEM((_BR, D), jnp.float32),
            pltpu.VMEM((_BR, D), jnp.float32),
            pltpu.VMEM((_BR, D), jnp.float32),
            pltpu.SemaphoreType.DMA,
            pltpu.SemaphoreType.DMA,
            pltpu.SemaphoreType.DMA,
            pltpu.SemaphoreType.DMA,
            pltpu.SemaphoreType.DMA,
            pltpu.SemaphoreType.DMA,
        ],
    )
    def body(src_hbm, dst_hbm, buf0, buf1, buf2, rs0, rs1, rs2, ws0, ws1, ws2):
        wid = lax.axis_index("s") * _NC + lax.axis_index("c")
        _copy_tails(((src_hbm, dst_hbm),), wid, buf0, rs0, ws0)
        _copy_table(src_hbm, dst_hbm, wid,
                    (buf0, buf1, buf2), (rs0, rs1, rs2), (ws0, ws1, ws2))

    return body(table)


def _tc_copy_body(a_ref, b_ref, ao_ref, bo_ref):
    ao_ref[...] = a_ref[...]
    bo_ref[...] = b_ref[...]


def _tc_copy(a, b):
    L, T, D = a.shape
    grid = (L, (T + _TBR - 1) // _TBR)
    spec = pl.BlockSpec((1, _TBR, D), lambda i, j: (i, j, 0))
    return pl.pallas_call(
        _tc_copy_body,
        grid=grid,
        in_specs=[spec, spec],
        out_specs=[spec, spec],
        out_shape=[jax.ShapeDtypeStruct((L, T, D), a.dtype)] * 2,
    )(a, b)


def kernel(bsz, enc_tables, self_tables, cross_tables):
    c_out = _sc_copy(cross_tables)
    e_out, s_out = _tc_copy(enc_tables, self_tables)
    return (e_out, s_out, c_out)

# --- scband reference (transcript-rebuilt; emitter-appended) ---
"""Pipeline reference for scband-bias-7567732375630 (READ-ONLY COPY).

The authoritative reference and input builder live on the scoring server;
editing this copy changes nothing except your own understanding.
"""

import jax, jax.numpy as jnp
import numpy as np

L = 12
N_EMBD = 1024
MAX_SRC = 2048 + 2
MAX_TGT = 2048 + 2


def setup_inputs() -> dict:
    # Original module initializes all bias embedding tables to 0.0
    enc_tables = jnp.zeros((L, MAX_SRC, N_EMBD), dtype=jnp.float32)
    self_tables = jnp.zeros((L, MAX_TGT, N_EMBD), dtype=jnp.float32)
    cross_tables = jnp.zeros((L, MAX_TGT, N_EMBD), dtype=jnp.float32)
    return {
        "bsz": 16,
        "enc_tables": enc_tables,
        "self_tables": self_tables,
        "cross_tables": cross_tables,
    }


def reference(bsz, enc_tables, self_tables, cross_tables):
    # forward: per-layer embedding lookup of position ids 0..max_len-1
    max_src_len = enc_tables.shape[1]
    max_tgt_len = self_tables.shape[1]
    src_positions = jnp.arange(0, max_src_len, dtype=jnp.int32)
    tgt_positions = jnp.arange(0, max_tgt_len, dtype=jnp.int32)
    # embedding lookup (gather along rows) for every layer's table
    enc_out = jnp.take(enc_tables, src_positions, axis=1)
    self_out = jnp.take(self_tables, tgt_positions, axis=1)
    cross_out = jnp.take(cross_tables, tgt_positions, axis=1)
    # original returns a list of dicts per layer; we return stacked arrays
    # (layer, seq, n_embd) in the same order: encoder, self, encoder_decoder
    return (enc_out, self_out, cross_out)

if __name__ == "__main__":
    import jax
    _d = setup_inputs()
    print(jax.jit(kernel)(*tuple(_d.values())))

</pallas_src>

<mosaic_0001>
#map = affine_map<(d0, d1) -> (0, 0, 0)>
module attributes {stable_mosaic.version = 14 : i64} {
  func.func @body(%arg0: i32, %arg1: i32, %arg2: memref<12x2050x1024xf32, #tpu.memory_space<hbm>>, %arg3: memref<12x2050x1024xf32, #tpu.memory_space<hbm>>, %arg4: memref<32x1024xf32, #tpu.memory_space<vmem>>, %arg5: memref<32x1024xf32, #tpu.memory_space<vmem>>, %arg6: memref<32x1024xf32, #tpu.memory_space<vmem>>, %arg7: memref<!tpu.dma_semaphore, #tpu.memory_space<semaphore_mem>>, %arg8: memref<!tpu.dma_semaphore, #tpu.memory_space<semaphore_mem>>, %arg9: memref<!tpu.dma_semaphore, #tpu.memory_space<semaphore_mem>>, %arg10: memref<!tpu.dma_semaphore, #tpu.memory_space<semaphore_mem>>, %arg11: memref<!tpu.dma_semaphore, #tpu.memory_space<semaphore_mem>>, %arg12: memref<!tpu.dma_semaphore, #tpu.memory_space<semaphore_mem>>) attributes {dimension_semantics = [#tpu.dimension_semantics<core_parallel>, #tpu.dimension_semantics<subcore_parallel>], iteration_bounds = array<i64: 2, 16>, scalar_prefetch = 0 : i64, scratch_operands = 9 : i64, tpu.core_type = #tpu.core_type<sc_vector_subcore>, window_params = [{transform_indices = #map}, {transform_indices = #map}]} {
    %mul3A = arith.constant 2 : i32
    %mul3A_0 = arith.muli %arg1, %mul3A : i32
    %add3A = arith.addi %mul3A_0, %arg0 : i32
    %eq3A = arith.constant 0 : i32
    %eq3A_1 = arith.cmpi eq, %add3A, %eq3A : i32
    %convert_element_type3A = arith.extui %eq3A_1 : i1 to i32
    %cond3A = arith.constant 0 : i32
    %cond3A_2 = arith.cmpi ne, %convert_element_type3A, %cond3A : i32
    scf.if %cond3A_2 {
      %dma_start3A = arith.constant 0 : i32
      %dma_start3A_89 = arith.constant 0 : i32
      %dma_start3A_90 = arith.constant 0 : i32
      %dma_start3A_91 = tpu.memref_slice %arg4[%dma_start3A_89, %dma_start3A_90] : memref<32x1024xf32, #tpu.memory_space<vmem>> -> memref<2x1024xf32, #tpu.memory_space<vmem>>
      %dma_start3A_92 = arith.constant 2048 : i32
      %dma_start3A_93 = arith.constant 0 : i32
      %dma_start3A_94 = tpu.memref_slice %arg2[%dma_start3A, %dma_start3A_92, %dma_start3A_93] : memref<12x2050x1024xf32, #tpu.memory_space<hbm>> -> memref<1x2x1024xf32, #tpu.memory_space<hbm>>
      %dma_start3A_95 = tpu.memref_squeeze %dma_start3A_94 : memref<1x2x1024xf32, #tpu.memory_space<hbm>> -> memref<2x1024xf32, #tpu.memory_space<hbm>>
      %dma_start3A_96 = arith.constant 0 : i32
      %dma_start3A_97 = arith.constant 0 : i32
      %dma_start3A_98 = tpu.memref_slice %arg4[%dma_start3A_96, %dma_start3A_97] : memref<32x1024xf32, #tpu.memory_space<vmem>> -> memref<2x1024xf32, #tpu.memory_space<vmem>>
      %dma_start3A_99 = arith.constant 2048 : i32
      %dma_start3A_100 = arith.constant 0 : i32
      %dma_start3A_101 = tpu.memref_slice %arg2[%dma_start3A, %dma_start3A_99, %dma_start3A_100] : memref<12x2050x1024xf32, #tpu.memory_space<hbm>> -> memref<1x2x1024xf32, #tpu.memory_space<hbm>>
      %dma_start3A_102 = tpu.memref_squeeze %dma_start3A_101 : memref<1x2x1024xf32, #tpu.memory_space<hbm>> -> memref<2x1024xf32, #tpu.memory_space<hbm>>
      tpu.enqueue_dma source(%dma_start3A_102 : memref<2x1024xf32, #tpu.memory_space<hbm>>) target(%dma_start3A_98 : memref<2x1024xf32, #tpu.memory_space<vmem>>) target_semaphore(%arg7 : memref<!tpu.dma_semaphore, #tpu.memory_space<semaphore_mem>>)
      %dma_wait3A = arith.constant 0 : i32
      %dma_wait3A_103 = arith.constant 0 : i32
      %dma_wait3A_104 = arith.constant 0 : i32
      %dma_wait3A_105 = tpu.memref_slice %arg4[%dma_wait3A_103, %dma_wait3A_104] : memref<32x1024xf32, #tpu.memory_space<vmem>> -> memref<2x1024xf32, #tpu.memory_space<vmem>>
      %dma_wait3A_106 = arith.constant 2048 : i32
      %dma_wait3A_107 = arith.constant 0 : i32
      %dma_wait3A_108 = tpu.memref_slice %arg2[%dma_wait3A, %dma_wait3A_106, %dma_wait3A_107] : memref<12x2050x1024xf32, #tpu.memory_space<hbm>> -> memref<1x2x1024xf32, #tpu.memory_space<hbm>>
      %dma_wait3A_109 = tpu.memref_squeeze %dma_wait3A_108 : memref<1x2x1024xf32, #tpu.memory_space<hbm>> -> memref<2x1024xf32, #tpu.memory_space<hbm>>
      %dma_wait3A_110 = arith.constant 0 : i32
      %dma_wait3A_111 = arith.constant 0 : i32
      %dma_wait3A_112 = tpu.memref_slice %arg4[%dma_wait3A_110, %dma_wait3A_111] : memref<32x1024xf32, #tpu.memory_space<vmem>> -> memref<2x1024xf32, #tpu.memory_space<vmem>>
      %dma_wait3A_113 = arith.constant 2048 : i32
      %dma_wait3A_114 = arith.constant 0 : i32
      %dma_wait3A_115 = tpu.memref_slice %arg2[%dma_wait3A, %dma_wait3A_113, %dma_wait3A_114] : memref<12x2050x1024xf32, #tpu.memory_space<hbm>> -> memref<1x2x1024xf32, #tpu.memory_space<hbm>>
      %dma_wait3A_116 = tpu.memref_squeeze %dma_wait3A_115 : memref<1x2x1024xf32, #tpu.memory_space<hbm>> -> memref<2x1024xf32, #tpu.memory_space<hbm>>
      tpu.wait_dma2 semaphore(%arg7 : memref<!tpu.dma_semaphore, #tpu.memory_space<semaphore_mem>>) src(%dma_wait3A_116 : memref<2x1024xf32, #tpu.memory_space<hbm>>) dst(%dma_wait3A_112 : memref<2x1024xf32, #tpu.memory_space<vmem>>)
      %dma_start3A_117 = arith.constant 0 : i32
      %dma_start3A_118 = arith.constant 0 : i32
      %dma_start3A_119 = arith.constant 0 : i32
      %dma_start3A_120 = tpu.memref_slice %arg4[%dma_start3A_118, %dma_start3A_119] : memref<32x1024xf32, #tpu.memory_space<vmem>> -> memref<2x1024xf32, #tpu.memory_space<vmem>>
      %dma_start3A_121 = arith.constant 2048 : i32
      %dma_start3A_122 = arith.constant 0 : i32
      %dma_start3A_123 = tpu.memref_slice %arg3[%dma_start3A_117, %dma_start3A_121, %dma_start3A_122] : memref<12x2050x1024xf32, #tpu.memory_space<hbm>> -> memref<1x2x1024xf32, #tpu.memory_space<hbm>>
      %dma_start3A_124 = tpu.memref_squeeze %dma_start3A_123 : memref<1x2x1024xf32, #tpu.memory_space<hbm>> -> memref<2x1024xf32, #tpu.memory_space<hbm>>
      %dma_start3A_125 = arith.constant 2048 : i32
      %dma_start3A_126 = arith.constant 0 : i32
      %dma_start3A_127 = tpu.memref_slice %arg3[%dma_start3A_117, %dma_start3A_125, %dma_start3A_126] : memref<12x2050x1024xf32, #tpu.memory_space<hbm>> -> memref<1x2x1024xf32, #tpu.memory_space<hbm>>
      %dma_start3A_128 = tpu.memref_squeeze %dma_start3A_127 : memref<1x2x1024xf32, #tpu.memory_space<hbm>> -> memref<2x1024xf32, #tpu.memory_space<hbm>>
      %dma_start3A_129 = arith.constant 0 : i32
      %dma_start3A_130 = arith.constant 0 : i32
      %dma_start3A_131 = tpu.memref_slice %arg4[%dma_start3A_129, %dma_start3A_130] : memref<32x1024xf32, #tpu.memory_space<vmem>> -> memref<2x1024xf32, #tpu.memory_space<vmem>>
      tpu.enqueue_dma source(%dma_start3A_131 : memref<2x1024xf32, #tpu.memory_space<vmem>>) target(%dma_start3A_128 : memref<2x1024xf32, #tpu.memory_space<hbm>>) target_semaphore(%arg10 : memref<!tpu.dma_semaphore, #tpu.memory_space<semaphore_mem>>)
      %dma_wait3A_132 = arith.constant 0 : i32
      %dma_wait3A_133 = arith.constant 0 : i32
      %dma_wait3A_134 = arith.constant 0 : i32
      %dma_wait3A_135 = tpu.memref_slice %arg4[%dma_wait3A_133, %dma_wait3A_134] : memref<32x1024xf32, #tpu.memory_space<vmem>> -> memref<2x1024xf32, #tpu.memory_space<vmem>>
      %dma_wait3A_136 = arith.constant 2048 : i32
      %dma_wait3A_137 = arith.constant 0 : i32
      %dma_wait3A_138 = tpu.memref_slice %arg3[%dma_wait3A_132, %dma_wait3A_136, %dma_wait3A_137] : memref<12x2050x1024xf32, #tpu.memory_space<hbm>> -> memref<1x2x1024xf32, #tpu.memory_space<hbm>>
      %dma_wait3A_139 = tpu.memref_squeeze %dma_wait3A_138 : memref<1x2x1024xf32, #tpu.memory_space<hbm>> -> memref<2x1024xf32, #tpu.memory_space<hbm>>
      %dma_wait3A_140 = arith.constant 2048 : i32
      %dma_wait3A_141 = arith.constant 0 : i32
      %dma_wait3A_142 = tpu.memref_slice %arg3[%dma_wait3A_132, %dma_wait3A_140, %dma_wait3A_141] : memref<12x2050x1024xf32, #tpu.memory_space<hbm>> -> memref<1x2x1024xf32, #tpu.memory_space<hbm>>
      %dma_wait3A_143 = tpu.memref_squeeze %dma_wait3A_142 : memref<1x2x1024xf32, #tpu.memory_space<hbm>> -> memref<2x1024xf32, #tpu.memory_space<hbm>>
      %dma_wait3A_144 = arith.constant 0 : i32
      %dma_wait3A_145 = arith.constant 0 : i32
      %dma_wait3A_146 = tpu.memref_slice %arg4[%dma_wait3A_144, %dma_wait3A_145] : memref<32x1024xf32, #tpu.memory_space<vmem>> -> memref<2x1024xf32, #tpu.memory_space<vmem>>
      tpu.wait_dma2 semaphore(%arg10 : memref<!tpu.dma_semaphore, #tpu.memory_space<semaphore_mem>>) src(%dma_wait3A_146 : memref<2x1024xf32, #tpu.memory_space<vmem>>) dst(%dma_wait3A_143 : memref<2x1024xf32, #tpu.memory_space<hbm>>)
    } else {
    }
    %eq3A_3 = arith.constant 1 : i32
    %eq3A_4 = arith.cmpi eq, %add3A, %eq3A_3 : i32
    %convert_element_type3A_5 = arith.extui %eq3A_4 : i1 to i32
    %cond3A_6 = arith.constant 0 : i32
    %cond3A_7 = arith.cmpi ne, %convert_element_type3A_5, %cond3A_6 : i32
    scf.if %cond3A_7 {
      %dma_start3A = arith.constant 1 : i32
      %dma_start3A_89 = arith.constant 0 : i32
      %dma_start3A_90 = arith.constant 0 : i32
      %dma_start3A_91 = tpu.memref_slice %arg4[%dma_start3A_89, %dma_start3A_90] : memref<32x1024xf32, #tpu.memory_space<vmem>> -> memref<2x1024xf32, #tpu.memory_space<vmem>>
      %dma_start3A_92 = arith.constant 2048 : i32
      %dma_start3A_93 = arith.constant 0 : i32
      %dma_start3A_94 = tpu.memref_slice %arg2[%dma_start3A, %dma_start3A_92, %dma_start3A_93] : memref<12x2050x1024xf32, #tpu.memory_space<hbm>> -> memref<1x2x1024xf32, #tpu.memory_space<hbm>>
      %dma_start3A_95 = tpu.memref_squeeze %dma_start3A_94 : memref<1x2x1024xf32, #tpu.memory_space<hbm>> -> memref<2x1024xf32, #tpu.memory_space<hbm>>
      %dma_start3A_96 = arith.constant 0 : i32
      %dma_start3A_97 = arith.constant 0 : i32
      %dma_start3A_98 = tpu.memref_slice %arg4[%dma_start3A_96, %dma_start3A_97] : memref<32x1024xf32, #tpu.memory_space<vmem>> -> memref<2x1024xf32, #tpu.memory_space<vmem>>
      %dma_start3A_99 = arith.constant 2048 : i32
      %dma_start3A_100 = arith.constant 0 : i32
      %dma_start3A_101 = tpu.memref_slice %arg2[%dma_start3A, %dma_start3A_99, %dma_start3A_100] : memref<12x2050x1024xf32, #tpu.memory_space<hbm>> -> memref<1x2x1024xf32, #tpu.memory_space<hbm>>
      %dma_start3A_102 = tpu.memref_squeeze %dma_start3A_101 : memref<1x2x1024xf32, #tpu.memory_space<hbm>> -> memref<2x1024xf32, #tpu.memory_space<hbm>>
      tpu.enqueue_dma source(%dma_start3A_102 : memref<2x1024xf32, #tpu.memory_space<hbm>>) target(%dma_start3A_98 : memref<2x1024xf32, #tpu.memory_space<vmem>>) target_semaphore(%arg7 : memref<!tpu.dma_semaphore, #tpu.memory_space<semaphore_mem>>)
      %dma_wait3A = arith.constant 1 : i32
      %dma_wait3A_103 = arith.constant 0 : i32
      %dma_wait3A_104 = arith.constant 0 : i32
      %dma_wait3A_105 = tpu.memref_slice %arg4[%dma_wait3A_103, %dma_wait3A_104] : memref<32x1024xf32, #tpu.memory_space<vmem>> -> memref<2x1024xf32, #tpu.memory_space<vmem>>
      %dma_wait3A_106 = arith.constant 2048 : i32
      %dma_wait3A_107 = arith.constant 0 : i32
      %dma_wait3A_108 = tpu.memref_slice %arg2[%dma_wait3A, %dma_wait3A_106, %dma_wait3A_107] : memref<12x2050x1024xf32, #tpu.memory_space<hbm>> -> memref<1x2x1024xf32, #tpu.memory_space<hbm>>
      %dma_wait3A_109 = tpu.memref_squeeze %dma_wait3A_108 : memref<1x2x1024xf32, #tpu.memory_space<hbm>> -> memref<2x1024xf32, #tpu.memory_space<hbm>>
      %dma_wait3A_110 = arith.constant 0 : i32
      %dma_wait3A_111 = arith.constant 0 : i32
      %dma_wait3A_112 = tpu.memref_slice %arg4[%dma_wait3A_110, %dma_wait3A_111] : memref<32x1024xf32, #tpu.memory_space<vmem>> -> memref<2x1024xf32, #tpu.memory_space<vmem>>
      %dma_wait3A_113 = arith.constant 2048 : i32
      %dma_wait3A_114 = arith.constant 0 : i32
      %dma_wait3A_115 = tpu.memref_slice %arg2[%dma_wait3A, %dma_wait3A_113, %dma_wait3A_114] : memref<12x2050x1024xf32, #tpu.memory_space<hbm>> -> memref<1x2x1024xf32, #tpu.memory_space<hbm>>
      %dma_wait3A_116 = tpu.memref_squeeze %dma_wait3A_115 : memref<1x2x1024xf32, #tpu.memory_space<hbm>> -> memref<2x1024xf32, #tpu.memory_space<hbm>>
      tpu.wait_dma2 semaphore(%arg7 : memref<!tpu.dma_semaphore, #tpu.memory_space<semaphore_mem>>) src(%dma_wait3A_116 : memref<2x1024xf32, #tpu.memory_space<hbm>>) dst(%dma_wait3A_112 : memref<2x1024xf32, #tpu.memory_space<vmem>>)
      %dma_start3A_117 = arith.constant 1 : i32
      %dma_start3A_118 = arith.constant 0 : i32
      %dma_start3A_119 = arith.constant 0 : i32
      %dma_start3A_120 = tpu.memref_slice %arg4[%dma_start3A_118, %dma_start3A_119] : memref<32x1024xf32, #tpu.memory_space<vmem>> -> memref<2x1024xf32, #tpu.memory_space<vmem>>
      %dma_start3A_121 = arith.constant 2048 : i32
      %dma_start3A_122 = arith.constant 0 : i32
      %dma_start3A_123 = tpu.memref_slice %arg3[%dma_start3A_117, %dma_start3A_121, %dma_start3A_122] : memref<12x2050x1024xf32, #tpu.memory_space<hbm>> -> memref<1x2x1024xf32, #tpu.memory_space<hbm>>
      %dma_start3A_124 = tpu.memref_squeeze %dma_start3A_123 : memref<1x2x1024xf32, #tpu.memory_space<hbm>> -> memref<2x1024xf32, #tpu.memory_space<hbm>>
      %dma_start3A_125 = arith.constant 2048 : i32
      %dma_start3A_126 = arith.constant 0 : i32
      %dma_start3A_127 = tpu.memref_slice %arg3[%dma_start3A_117, %dma_start3A_125, %dma_start3A_126] : memref<12x2050x1024xf32, #tpu.memory_space<hbm>> -> memref<1x2x1024xf32, #tpu.memory_space<hbm>>
      %dma_start3A_128 = tpu.memref_squeeze %dma_start3A_127 : memref<1x2x1024xf32, #tpu.memory_space<hbm>> -> memref<2x1024xf32, #tpu.memory_space<hbm>>
      %dma_start3A_129 = arith.constant 0 : i32
      %dma_start3A_130 = arith.constant 0 : i32
      %dma_start3A_131 = tpu.memref_slice %arg4[%dma_start3A_129, %dma_start3A_130] : memref<32x1024xf32, #tpu.memory_space<vmem>> -> memref<2x1024xf32, #tpu.memory_space<vmem>>
      tpu.enqueue_dma source(%dma_start3A_131 : memref<2x1024xf32, #tpu.memory_space<vmem>>) target(%dma_start3A_128 : memref<2x1024xf32, #tpu.memory_space<hbm>>) target_semaphore(%arg10 : memref<!tpu.dma_semaphore, #tpu.memory_space<semaphore_mem>>)
      %dma_wait3A_132 = arith.constant 1 : i32
      %dma_wait3A_133 = arith.constant 0 : i32
      %dma_wait3A_134 = arith.constant 0 : i32
      %dma_wait3A_135 = tpu.memref_slice %arg4[%dma_wait3A_133, %dma_wait3A_134] : memref<32x1024xf32, #tpu.memory_space<vmem>> -> memref<2x1024xf32, #tpu.memory_space<vmem>>
      %dma_wait3A_136 = arith.constant 2048 : i32
      %dma_wait3A_137 = arith.constant 0 : i32
      %dma_wait3A_138 = tpu.memref_slice %arg3[%dma_wait3A_132, %dma_wait3A_136, %dma_wait3A_137] : memref<12x2050x1024xf32, #tpu.memory_space<hbm>> -> memref<1x2x1024xf32, #tpu.memory_space<hbm>>
      %dma_wait3A_139 = tpu.memref_squeeze %dma_wait3A_138 : memref<1x2x1024xf32, #tpu.memory_space<hbm>> -> memref<2x1024xf32, #tpu.memory_space<hbm>>
      %dma_wait3A_140 = arith.constant 2048 : i32
      %dma_wait3A_141 = arith.constant 0 : i32
      %dma_wait3A_142 = tpu.memref_slice %arg3[%dma_wait3A_132, %dma_wait3A_140, %dma_wait3A_141] : memref<12x2050x1024xf32, #tpu.memory_space<hbm>> -> memref<1x2x1024xf32, #tpu.memory_space<hbm>>
      %dma_wait3A_143 = tpu.memref_squeeze %dma_wait3A_142 : memref<1x2x1024xf32, #tpu.memory_space<hbm>> -> memref<2x1024xf32, #tpu.memory_space<hbm>>
      %dma_wait3A_144 = arith.constant 0 : i32
      %dma_wait3A_145 = arith.constant 0 : i32
      %dma_wait3A_146 = tpu.memref_slice %arg4[%dma_wait3A_144, %dma_wait3A_145] : memref<32x1024xf32, #tpu.memory_space<vmem>> -> memref<2x1024xf32, #tpu.memory_space<vmem>>
      tpu.wait_dma2 semaphore(%arg10 : memref<!tpu.dma_semaphore, #tpu.memory_space<semaphore_mem>>) src(%dma_wait3A_146 : memref<2x1024xf32, #tpu.memory_space<vmem>>) dst(%dma_wait3A_143 : memref<2x1024xf32, #tpu.memory_space<hbm>>)
    } else {
    }
    %eq3A_8 = arith.constant 2 : i32
    %eq3A_9 = arith.cmpi eq, %add3A, %eq3A_8 : i32
    %convert_element_type3A_10 = arith.extui %eq3A_9 : i1 to i32
    %cond3A_11 = arith.constant 0 : i32
    %cond3A_12 = arith.cmpi ne, %convert_element_type3A_10, %cond3A_11 : i32
    scf.if %cond3A_12 {
      %dma_start3A = arith.constant 2 : i32
      %dma_start3A_89 = arith.constant 0 : i32
      %dma_start3A_90 = arith.constant 0 : i32
      %dma_start3A_91 = tpu.memref_slice %arg4[%dma_start3A_89, %dma_start3A_90] : memref<32x1024xf32, #tpu.memory_space<vmem>> -> memref<2x1024xf32, #tpu.memory_space<vmem>>
      %dma_start3A_92 = arith.constant 2048 : i32
      %dma_start3A_93 = arith.constant 0 : i32
      %dma_start3A_94 = tpu.memref_slice %arg2[%dma_start3A, %dma_start3A_92, %dma_start3A_93] : memref<12x2050x1024xf32, #tpu.memory_space<hbm>> -> memref<1x2x1024xf32, #tpu.memory_space<hbm>>
      %dma_start3A_95 = tpu.memref_squeeze %dma_start3A_94 : memref<1x2x1024xf32, #tpu.memory_space<hbm>> -> memref<2x1024xf32, #tpu.memory_space<hbm>>
      %dma_start3A_96 = arith.constant 0 : i32
      %dma_start3A_97 = arith.constant 0 : i32
      %dma_start3A_98 = tpu.memref_slice %arg4[%dma_start3A_96, %dma_start3A_97] : memref<32x1024xf32, #tpu.memory_space<vmem>> -> memref<2x1024xf32, #tpu.memory_space<vmem>>
      %dma_start3A_99 = arith.constant 2048 : i32
      %dma_start3A_100 = arith.constant 0 : i32
      %dma_start3A_101 = tpu.memref_slice %arg2[%dma_start3A, %dma_start3A_99, %dma_start3A_100] : memref<12x2050x1024xf32, #tpu.memory_space<hbm>> -> memref<1x2x1024xf32, #tpu.memory_space<hbm>>
      %dma_start3A_102 = tpu.memref_squeeze %dma_start3A_101 : memref<1x2x1024xf32, #tpu.memory_space<hbm>> -> memref<2x1024xf32, #tpu.memory_space<hbm>>
      tpu.enqueue_dma source(%dma_start3A_102 : memref<2x1024xf32, #tpu.memory_space<hbm>>) target(%dma_start3A_98 : memref<2x1024xf32, #tpu.memory_space<vmem>>) target_semaphore(%arg7 : memref<!tpu.dma_semaphore, #tpu.memory_space<semaphore_mem>>)
      %dma_wait3A = arith.constant 2 : i32
      %dma_wait3A_103 = arith.constant 0 : i32
      %dma_wait3A_104 = arith.constant 0 : i32
      %dma_wait3A_105 = tpu.memref_slice %arg4[%dma_wait3A_103, %dma_wait3A_104] : memref<32x1024xf32, #tpu.memory_space<vmem>> -> memref<2x1024xf32, #tpu.memory_space<vmem>>
      %dma_wait3A_106 = arith.constant 2048 : i32
      %dma_wait3A_107 = arith.constant 0 : i32
      %dma_wait3A_108 = tpu.memref_slice %arg2[%dma_wait3A, %dma_wait3A_106, %dma_wait3A_107] : memref<12x2050x1024xf32, #tpu.memory_space<hbm>> -> memref<1x2x1024xf32, #tpu.memory_space<hbm>>
      %dma_wait3A_109 = tpu.memref_squeeze %dma_wait3A_108 : memref<1x2x1024xf32, #tpu.memory_space<hbm>> -> memref<2x1024xf32, #tpu.memory_space<hbm>>
      %dma_wait3A_110 = arith.constant 0 : i32
      %dma_wait3A_111 = arith.constant 0 : i32
      %dma_wait3A_112 = tpu.memref_slice %arg4[%dma_wait3A_110, %dma_wait3A_111] : memref<32x1024xf32, #tpu.memory_space<vmem>> -> memref<2x1024xf32, #tpu.memory_space<vmem>>
      %dma_wait3A_113 = arith.constant 2048 : i32
      %dma_wait3A_114 = arith.constant 0 : i32
      %dma_wait3A_115 = tpu.memref_slice %arg2[%dma_wait3A, %dma_wait3A_113, %dma_wait3A_114] : memref<12x2050x1024xf32, #tpu.memory_space<hbm>> -> memref<1x2x1024xf32, #tpu.memory_space<hbm>>
      %dma_wait3A_116 = tpu.memref_squeeze %dma_wait3A_115 : memref<1x2x1024xf32, #tpu.memory_space<hbm>> -> memref<2x1024xf32, #tpu.memory_space<hbm>>
      tpu.wait_dma2 semaphore(%arg7 : memref<!tpu.dma_semaphore, #tpu.memory_space<semaphore_mem>>) src(%dma_wait3A_116 : memref<2x1024xf32, #tpu.memory_space<hbm>>) dst(%dma_wait3A_112 : memref<2x1024xf32, #tpu.memory_space<vmem>>)
      %dma_start3A_117 = arith.constant 2 : i32
      %dma_start3A_118 = arith.constant 0 : i32
      %dma_start3A_119 = arith.constant 0 : i32
      %dma_start3A_120 = tpu.memref_slice %arg4[%dma_start3A_118, %dma_start3A_119] : memref<32x1024xf32, #tpu.memory_space<vmem>> -> memref<2x1024xf32, #tpu.memory_space<vmem>>
      %dma_start3A_121 = arith.constant 2048 : i32
      %dma_start3A_122 = arith.constant 0 : i32
      %dma_start3A_123 = tpu.memref_slice %arg3[%dma_start3A_117, %dma_start3A_121, %dma_start3A_122] : memref<12x2050x1024xf32, #tpu.memory_space<hbm>> -> memref<1x2x1024xf32, #tpu.memory_space<hbm>>
      %dma_start3A_124 = tpu.memref_squeeze %dma_start3A_123 : memref<1x2x1024xf32, #tpu.memory_space<hbm>> -> memref<2x1024xf32, #tpu.memory_space<hbm>>
      %dma_start3A_125 = arith.constant 2048 : i32
      %dma_start3A_126 = arith.constant 0 : i32
      %dma_start3A_127 = tpu.memref_slice %arg3[%dma_start3A_117, %dma_start3A_125, %dma_start3A_126] : memref<12x2050x1024xf32, #tpu.memory_space<hbm>> -> memref<1x2x1024xf32, #tpu.memory_space<hbm>>
      %dma_start3A_128 = tpu.memref_squeeze %dma_start3A_127 : memref<1x2x1024xf32, #tpu.memory_space<hbm>> -> memref<2x1024xf32, #tpu.memory_space<hbm>>
      %dma_start3A_129 = arith.constant 0 : i32
      %dma_start3A_130 = arith.constant 0 : i32
      %dma_start3A_131 = tpu.memref_slice %arg4[%dma_start3A_129, %dma_start3A_130] : memref<32x1024xf32, #tpu.memory_space<vmem>> -> memref<2x1024xf32, #tpu.memory_space<vmem>>
      tpu.enqueue_dma source(%dma_start3A_131 : memref<2x1024xf32, #tpu.memory_space<vmem>>) target(%dma_start3A_128 : memref<2x1024xf32, #tpu.memory_space<hbm>>) target_semaphore(%arg10 : memref<!tpu.dma_semaphore, #tpu.memory_space<semaphore_mem>>)
      %dma_wait3A_132 = arith.constant 2 : i32
      %dma_wait3A_133 = arith.constant 0 : i32
      %dma_wait3A_134 = arith.constant 0 : i32
      %dma_wait3A_135 = tpu.memref_slice %arg4[%dma_wait3A_133, %dma_wait3A_134] : memref<32x1024xf32, #tpu.memory_space<vmem>> -> memref<2x1024xf32, #tpu.memory_space<vmem>>
      %dma_wait3A_136 = arith.constant 2048 : i32
      %dma_wait3A_137 = arith.constant 0 : i32
      %dma_wait3A_138 = tpu.memref_slice %arg3[%dma_wait3A_132, %dma_wait3A_136, %dma_wait3A_137] : memref<12x2050x1024xf32, #tpu.memory_space<hbm>> -> memref<1x2x1024xf32, #tpu.memory_space<hbm>>
      %dma_wait3A_139 = tpu.memref_squeeze %dma_wait3A_138 : memref<1x2x1024xf32, #tpu.memory_space<hbm>> -> memref<2x1024xf32, #tpu.memory_space<hbm>>
      %dma_wait3A_140 = arith.constant 2048 : i32
      %dma_wait3A_141 = arith.constant 0 : i32
      %dma_wait3A_142 = tpu.memref_slice %arg3[%dma_wait3A_132, %dma_wait3A_140, %dma_wait3A_141] : memref<12x2050x1024xf32, #tpu.memory_space<hbm>> -> memref<1x2x1024xf32, #tpu.memory_space<hbm>>
      %dma_wait3A_143 = tpu.memref_squeeze %dma_wait3A_142 : memref<1x2x1024xf32, #tpu.memory_space<hbm>> -> memref<2x1024xf32, #tpu.memory_space<hbm>>
      %dma_wait3A_144 = arith.constant 0 : i32
      %dma_wait3A_145 = arith.constant 0 : i32
      %dma_wait3A_146 = tpu.memref_slice %arg4[%dma_wait3A_144, %dma_wait3A_145] : memref<32x1024xf32, #tpu.memory_space<vmem>> -> memref<2x1024xf32, #tpu.memory_space<vmem>>
      tpu.wait_dma2 semaphore(%arg10 : memref<!tpu.dma_semaphore, #tpu.memory_space<semaphore_mem>>) src(%dma_wait3A_146 : memref<2x1024xf32, #tpu.memory_space<vmem>>) dst(%dma_wait3A_143 : memref<2x1024xf32, #tpu.memory_space<hbm>>)
    } else {
    }
    %eq3A_13 = arith.constant 3 : i32
    %eq3A_14 = arith.cmpi eq, %add3A, %eq3A_13 : i32
    %convert_element_type3A_15 = arith.extui %eq3A_14 : i1 to i32
    %cond3A_16 = arith.constant 0 : i32
    %cond3A_17 = arith.cmpi ne, %convert_element_type3A_15, %cond3A_16 : i32
    scf.if %cond3A_17 {
      %dma_start3A = arith.constant 3 : i32
      %dma_start3A_89 = arith.constant 0 : i32
      %dma_start3A_90 = arith.constant 0 : i32
      %dma_start3A_91 = tpu.memref_slice %arg4[%dma_start3A_89, %dma_start3A_90] : memref<32x1024xf32, #tpu.memory_space<vmem>> -> memref<2x1024xf32, #tpu.memory_space<vmem>>
      %dma_start3A_92 = arith.constant 2048 : i32
      %dma_start3A_93 = arith.constant 0 : i32
      %dma_start3A_94 = tpu.memref_slice %arg2[%dma_start3A, %dma_start3A_92, %dma_start3A_93] : memref<12x2050x1024xf32, #tpu.memory_space<hbm>> -> memref<1x2x1024xf32, #tpu.memory_space<hbm>>
      %dma_start3A_95 = tpu.memref_squeeze %dma_start3A_94 : memref<1x2x1024xf32, #tpu.memory_space<hbm>> -> memref<2x1024xf32, #tpu.memory_space<hbm>>
      %dma_start3A_96 = arith.constant 0 : i32
      %dma_start3A_97 = arith.constant 0 : i32
      %dma_start3A_98 = tpu.memref_slice %arg4[%dma_start3A_96, %dma_start3A_97] : memref<32x1024xf32, #tpu.memory_space<vmem>> -> memref<2x1024xf32, #tpu.memory_space<vmem>>
      %dma_start3A_99 = arith.constant 2048 : i32
      %dma_start3A_100 = arith.constant 0 : i32
      %dma_start3A_101 = tpu.memref_slice %arg2[%dma_start3A, %dma_start3A_99, %dma_start3A_100] : memref<12x2050x1024xf32, #tpu.memory_space<hbm>> -> memref<1x2x1024xf32, #tpu.memory_space<hbm>>
      %dma_start3A_102 = tpu.memref_squeeze %dma_start3A_101 : memref<1x2x1024xf32, #tpu.memory_space<hbm>> -> memref<2x1024xf32, #tpu.memory_space<hbm>>
      tpu.enqueue_dma source(%dma_start3A_102 : memref<2x1024xf32, #tpu.memory_space<hbm>>) target(%dma_start3A_98 : memref<2x1024xf32, #tpu.memory_space<vmem>>) target_semaphore(%arg7 : memref<!tpu.dma_semaphore, #tpu.memory_space<semaphore_mem>>)
      %dma_wait3A = arith.constant 3 : i32
      %dma_wait3A_103 = arith.constant 0 : i32
      %dma_wait3A_104 = arith.constant 0 : i32
      %dma_wait3A_105 = tpu.memref_slice %arg4[%dma_wait3A_103, %dma_wait3A_104] : memref<32x1024xf32, #tpu.memory_space<vmem>> -> memref<2x1024xf32, #tpu.memory_space<vmem>>
      %dma_wait3A_106 = arith.constant 2048 : i32
      %dma_wait3A_107 = arith.constant 0 : i32
      %dma_wait3A_108 = tpu.memref_slice %arg2[%dma_wait3A, %dma_wait3A_106, %dma_wait3A_107] : memref<12x2050x1024xf32, #tpu.memory_space<hbm>> -> memref<1x2x1024xf32, #tpu.memory_space<hbm>>
      %dma_wait3A_109 = tpu.memref_squeeze %dma_wait3A_108 : memref<1x2x1024xf32, #tpu.memory_space<hbm>> -> memref<2x1024xf32, #tpu.memory_space<hbm>>
      %dma_wait3A_110 = arith.constant 0 : i32
      %dma_wait3A_111 = arith.constant 0 : i32
      %dma_wait3A_112 = tpu.memref_slice %arg4[%dma_wait3A_110, %dma_wait3A_111] : memref<32x1024xf32, #tpu.memory_space<vmem>> -> memref<2x1024xf32, #tpu.memory_space<vmem>>
      %dma_wait3A_113 = arith.constant 2048 : i32
      %dma_wait3A_114 = arith.constant 0 : i32
      %dma_wait3A_115 = tpu.memref_slice %arg2[%dma_wait3A, %dma_wait3A_113, %dma_wait3A_114] : memref<12x2050x1024xf32, #tpu.memory_space<hbm>> -> memref<1x2x1024xf32, #tpu.memory_space<hbm>>
      %dma_wait3A_116 = tpu.memref_squeeze %dma_wait3A_115 : memref<1x2x1024xf32, #tpu.memory_space<hbm>> -> memref<2x1024xf32, #tpu.memory_space<hbm>>
      tpu.wait_dma2 semaphore(%arg7 : memref<!tpu.dma_semaphore, #tpu.memory_space<semaphore_mem>>) src(%dma_wait3A_116 : memref<2x1024xf32, #tpu.memory_space<hbm>>) dst(%dma_wait3A_112 : memref<2x1024xf32, #tpu.memory_space<vmem>>)
      %dma_start3A_117 = arith.constant 3 : i32
      %dma_start3A_118 = arith.constant 0 : i32
      %dma_start3A_119 = arith.constant 0 : i32
      %dma_start3A_120 = tpu.memref_slice %arg4[%dma_start3A_118, %dma_start3A_119] : memref<32x1024xf32, #tpu.memory_space<vmem>> -> memref<2x1024xf32, #tpu.memory_space<vmem>>
      %dma_start3A_121 = arith.constant 2048 : i32
      %dma_start3A_122 = arith.constant 0 : i32
      %dma_start3A_123 = tpu.memref_slice %arg3[%dma_start3A_117, %dma_start3A_121, %dma_start3A_122] : memref<12x2050x1024xf32, #tpu.memory_space<hbm>> -> memref<1x2x1024xf32, #tpu.memory_space<hbm>>
      %dma_start3A_124 = tpu.memref_squeeze %dma_start3A_123 : memref<1x2x1024xf32, #tpu.memory_space<hbm>> -> memref<2x1024xf32, #tpu.memory_space<hbm>>
      %dma_start3A_125 = arith.constant 2048 : i32
      %dma_start3A_126 = arith.constant 0 : i32
      %dma_start3A_127 = tpu.memref_slice %arg3[%dma_start3A_117, %dma_start3A_125, %dma_start3A_126] : memref<12x2050x1024xf32, #tpu.memory_space<hbm>> -> memref<1x2x1024xf32, #tpu.memory_space<hbm>>
      %dma_start3A_128 = tpu.memref_squeeze %dma_start3A_127 : memref<1x2x1024xf32, #tpu.memory_space<hbm>> -> memref<2x1024xf32, #tpu.memory_space<hbm>>
      %dma_start3A_129 = arith.constant 0 : i32
      %dma_start3A_130 = arith.constant 0 : i32
      %dma_start3A_131 = tpu.memref_slice %arg4[%dma_start3A_129, %dma_start3A_130] : memref<32x1024xf32, #tpu.memory_space<vmem>> -> memref<2x1024xf32, #tpu.memory_space<vmem>>
      tpu.enqueue_dma source(%dma_start3A_131 : memref<2x1024xf32, #tpu.memory_space<vmem>>) target(%dma_start3A_128 : memref<2x1024xf32, #tpu.memory_space<hbm>>) target_semaphore(%arg10 : memref<!tpu.dma_semaphore, #tpu.memory_space<semaphore_mem>>)
      %dma_wait3A_132 = arith.constant 3 : i32
      %dma_wait3A_133 = arith.constant 0 : i32
      %dma_wait3A_134 = arith.constant 0 : i32
      %dma_wait3A_135 = tpu.memref_slice %arg4[%dma_wait3A_133, %dma_wait3A_134] : memref<32x1024xf32, #tpu.memory_space<vmem>> -> memref<2x1024xf32, #tpu.memory_space<vmem>>
      %dma_wait3A_136 = arith.constant 2048 : i32
      %dma_wait3A_137 = arith.constant 0 : i32
      %dma_wait3A_138 = tpu.memref_slice %arg3[%dma_wait3A_132, %dma_wait3A_136, %dma_wait3A_137] : memref<12x2050x1024xf32, #tpu.memory_space<hbm>> -> memref<1x2x1024xf32, #tpu.memory_space<hbm>>
      %dma_wait3A_139 = tpu.memref_squeeze %dma_wait3A_138 : memref<1x2x1024xf32, #tpu.memory_space<hbm>> -> memref<2x1024xf32, #tpu.memory_space<hbm>>
      %dma_wait3A_140 = arith.constant 2048 : i32
      %dma_wait3A_141 = arith.constant 0 : i32
      %dma_wait3A_142 = tpu.memref_slice %arg3[%dma_wait3A_132, %dma_wait3A_140, %dma_wait3A_141] : memref<12x2050x1024xf32, #tpu.memory_space<hbm>> -> memref<1x2x1024xf32, #tpu.memory_space<hbm>>
      %dma_wait3A_143 = tpu.memref_squeeze %dma_wait3A_142 : memref<1x2x1024xf32, #tpu.memory_space<hbm>> -> memref<2x1024xf32, #tpu.memory_space<hbm>>
      %dma_wait3A_144 = arith.constant 0 : i32
      %dma_wait3A_145 = arith.constant 0 : i32
      %dma_wait3A_146 = tpu.memref_slice %arg4[%dma_wait3A_144, %dma_wait3A_145] : memref<32x1024xf32, #tpu.memory_space<vmem>> -> memref<2x1024xf32, #tpu.memory_space<vmem>>
      tpu.wait_dma2 semaphore(%arg10 : memref<!tpu.dma_semaphore, #tpu.memory_space<semaphore_mem>>) src(%dma_wait3A_146 : memref<2x1024xf32, #tpu.memory_space<vmem>>) dst(%dma_wait3A_143 : memref<2x1024xf32, #tpu.memory_space<hbm>>)
    } else {
    }
    %eq3A_18 = arith.constant 4 : i32
    %eq3A_19 = arith.cmpi eq, %add3A, %eq3A_18 : i32
    %convert_element_type3A_20 = arith.extui %eq3A_19 : i1 to i32
    %cond3A_21 = arith.constant 0 : i32
    %cond3A_22 = arith.cmpi ne, %convert_element_type3A_20, %cond3A_21 : i32
    scf.if %cond3A_22 {
      %dma_start3A = arith.constant 4 : i32
      %dma_start3A_89 = arith.constant 0 : i32
      %dma_start3A_90 = arith.constant 0 : i32
      %dma_start3A_91 = tpu.memref_slice %arg4[%dma_start3A_89, %dma_start3A_90] : memref<32x1024xf32, #tpu.memory_space<vmem>> -> memref<2x1024xf32, #tpu.memory_space<vmem>>
      %dma_start3A_92 = arith.constant 2048 : i32
      %dma_start3A_93 = arith.constant 0 : i32
      %dma_start3A_94 = tpu.memref_slice %arg2[%dma_start3A, %dma_start3A_92, %dma_start3A_93] : memref<12x2050x1024xf32, #tpu.memory_space<hbm>> -> memref<1x2x1024xf32, #tpu.memory_space<hbm>>
      %dma_start3A_95 = tpu.memref_squeeze %dma_start3A_94 : memref<1x2x1024xf32, #tpu.memory_space<hbm>> -> memref<2x1024xf32, #tpu.memory_space<hbm>>
      %dma_start3A_96 = arith.constant 0 : i32
      %dma_start3A_97 = arith.constant 0 : i32
      %dma_start3A_98 = tpu.memref_slice %arg4[%dma_start3A_96, %dma_start3A_97] : memref<32x1024xf32, #tpu.memory_space<vmem>> -> memref<2x1024xf32, #tpu.memory_space<vmem>>
      %dma_start3A_99 = arith.constant 2048 : i32
      %dma_start3A_100 = arith.constant 0 : i32
      %dma_start3A_101 = tpu.memref_slice %arg2[%dma_start3A, %dma_start3A_99, %dma_start3A_100] : memref<12x2050x1024xf32, #tpu.memory_space<hbm>> -> memref<1x2x1024xf32, #tpu.memory_space<hbm>>
      %dma_start3A_102 = tpu.memref_squeeze %dma_start3A_101 : memref<1x2x1024xf32, #tpu.memory_space<hbm>> -> memref<2x1024xf32, #tpu.memory_space<hbm>>
      tpu.enqueue_dma source(%dma_start3A_102 : memref<2x1024xf32, #tpu.memory_space<hbm>>) target(%dma_start3A_98 : memref<2x1024xf32, #tpu.memory_space<vmem>>) target_semaphore(%arg7 : memref<!tpu.dma_semaphore, #tpu.memory_space<semaphore_mem>>)
      %dma_wait3A = arith.constant 4 : i32
      %dma_wait3A_103 = arith.constant 0 : i32
      %dma_wait3A_104 = arith.constant 0 : i32
      %dma_wait3A_105 = tpu.memref_slice %arg4[%dma_wait3A_103, %dma_wait3A_104] : memref<32x1024xf32, #tpu.memory_space<vmem>> -> memref<2x1024xf32, #tpu.memory_space<vmem>>
      %dma_wait3A_106 = arith.constant 2048 : i32
      %dma_wait3A_107 = arith.constant 0 : i32
      %dma_wait3A_108 = tpu.memref_slice %arg2[%dma_wait3A, %dma_wait3A_106, %dma_wait3A_107] : memref<12x2050x1024xf32, #tpu.memory_space<hbm>> -> memref<1x2x1024xf32, #tpu.memory_space<hbm>>
      %dma_wait3A_109 = tpu.memref_squeeze %dma_wait3A_108 : memref<1x2x1024xf32, #tpu.memory_space<hbm>> -> memref<2x1024xf32, #tpu.memory_space<hbm>>
      %dma_wait3A_110 = arith.constant 0 : i32
      %dma_wait3A_111 = arith.constant 0 : i32
      %dma_wait3A_112 = tpu.memref_slice %arg4[%dma_wait3A_110, %dma_wait3A_111] : memref<32x1024xf32, #tpu.memory_space<vmem>> -> memref<2x1024xf32, #tpu.memory_space<vmem>>
      %dma_wait3A_113 = arith.constant 2048 : i32
      %dma_wait3A_114 = arith.constant 0 : i32
      %dma_wait3A_115 = tpu.memref_slice %arg2[%dma_wait3A, %dma_wait3A_113, %dma_wait3A_114] : memref<12x2050x1024xf32, #tpu.memory_space<hbm>> -> memref<1x2x1024xf32, #tpu.memory_space<hbm>>
      %dma_wait3A_116 = tpu.memref_squeeze %dma_wait3A_115 : memref<1x2x1024xf32, #tpu.memory_space<hbm>> -> memref<2x1024xf32, #tpu.memory_space<hbm>>
      tpu.wait_dma2 semaphore(%arg7 : memref<!tpu.dma_semaphore, #tpu.memory_space<semaphore_mem>>) src(%dma_wait3A_116 : memref<2x1024xf32, #tpu.memory_space<hbm>>) dst(%dma_wait3A_112 : memref<2x1024xf32, #tpu.memory_space<vmem>>)
      %dma_start3A_117 = arith.constant 4 : i32
      %dma_start3A_118 = arith.constant 0 : i32
      %dma_start3A_119 = arith.constant 0 : i32
      %dma_start3A_120 = tpu.memref_slice %arg4[%dma_start3A_118, %dma_start3A_119] : memref<32x1024xf32, #tpu.memory_space<vmem>> -> memref<2x1024xf32, #tpu.memory_space<vmem>>
      %dma_start3A_121 = arith.constant 2048 : i32
      %dma_start3A_122 = arith.constant 0 : i32
      %dma_start3A_123 = tpu.memref_slice %arg3[%dma_start3A_117, %dma_start3A_121, %dma_start3A_122] : memref<12x2050x1024xf32, #tpu.memory_space<hbm>> -> memref<1x2x1024xf32, #tpu.memory_space<hbm>>
      %dma_start3A_124 = tpu.memref_squeeze %dma_start3A_123 : memref<1x2x1024xf32, #tpu.memory_space<hbm>> -> memref<2x1024xf32, #tpu.memory_space<hbm>>
      %dma_start3A_125 = arith.constant 2048 : i32
      %dma_start3A_126 = arith.constant 0 : i32
      %dma_start3A_127 = tpu.memref_slice %arg3[%dma_start3A_117, %dma_start3A_125, %dma_start3A_126] : memref<12x2050x1024xf32, #tpu.memory_space<hbm>> -> memref<1x2x1024xf32, #tpu.memory_space<hbm>>
      %dma_start3A_128 = tpu.memref_squeeze %dma_start3A_127 : memref<1x2x1024xf32, #tpu.memory_space<hbm>> -> memref<2x1024xf32, #tpu.memory_space<hbm>>
      %dma_start3A_129 = arith.constant 0 : i32
      %dma_start3A_130 = arith.constant 0 : i32
      %dma_start3A_131 = tpu.memref_slice %arg4[%dma_start3A_129, %dma_start3A_130] : memref<32x1024xf32, #tpu.memory_space<vmem>> -> memref<2x1024xf32, #tpu.memory_space<vmem>>
      tpu.enqueue_dma source(%dma_start3A_131 : memref<2x1024xf32, #tpu.memory_space<vmem>>) target(%dma_start3A_128 : memref<2x1024xf32, #tpu.memory_space<hbm>>) target_semaphore(%arg10 : memref<!tpu.dma_semaphore, #tpu.memory_space<semaphore_mem>>)
      %dma_wait3A_132 = arith.constant 4 : i32
      %dma_wait3A_133 = arith.constant 0 : i32
      %dma_wait3A_134 = arith.constant 0 : i32
      %dma_wait3A_135 = tpu.memref_slice %arg4[%dma_wait3A_133, %dma_wait3A_134] : memref<32x1024xf32, #tpu.memory_space<vmem>> -> memref<2x1024xf32, #tpu.memory_space<vmem>>
      %dma_wait3A_136 = arith.constant 2048 : i32
      %dma_wait3A_137 = arith.constant 0 : i32
      %dma_wait3A_138 = tpu.memref_slice %arg3[%dma_wait3A_132, %dma_wait3A_136, %dma_wait3A_137] : memref<12x2050x1024xf32, #tpu.memory_space<hbm>> -> memref<1x2x1024xf32, #tpu.memory_space<hbm>>
      %dma_wait3A_139 = tpu.memref_squeeze %dma_wait3A_138 : memref<1x2x1024xf32, #tpu.memory_space<hbm>> -> memref<2x1024xf32, #tpu.memory_space<hbm>>
      %dma_wait3A_140 = arith.constant 2048 : i32
      %dma_wait3A_141 = arith.constant 0 : i32
      %dma_wait3A_142 = tpu.memref_slice %arg3[%dma_wait3A_132, %dma_wait3A_140, %dma_wait3A_141] : memref<12x2050x1024xf32, #tpu.memory_space<hbm>> -> memref<1x2x1024xf32, #tpu.memory_space<hbm>>
      %dma_wait3A_143 = tpu.memref_squeeze %dma_wait3A_142 : memref<1x2x1024xf32, #tpu.memory_space<hbm>> -> memref<2x1024xf32, #tpu.memory_space<hbm>>
      %dma_wait3A_144 = arith.constant 0 : i32
      %dma_wait3A_145 = arith.constant 0 : i32
      %dma_wait3A_146 = tpu.memref_slice %arg4[%dma_wait3A_144, %dma_wait3A_145] : memref<32x1024xf32, #tpu.memory_space<vmem>> -> memref<2x1024xf32, #tpu.memory_space<vmem>>
      tpu.wait_dma2 semaphore(%arg10 : memref<!tpu.dma_semaphore, #tpu.memory_space<semaphore_mem>>) src(%dma_wait3A_146 : memref<2x1024xf32, #tpu.memory_space<vmem>>) dst(%dma_wait3A_143 : memref<2x1024xf32, #tpu.memory_space<hbm>>)
    } else {
    }
    %eq3A_23 = arith.constant 5 : i32
    %eq3A_24 = arith.cmpi eq, %add3A, %eq3A_23 : i32
    %convert_element_type3A_25 = arith.extui %eq3A_24 : i1 to i32
    %cond3A_26 = arith.constant 0 : i32
    %cond3A_27 = arith.cmpi ne, %convert_element_type3A_25, %cond3A_26 : i32
    scf.if %cond3A_27 {
      %dma_start3A = arith.constant 5 : i32
      %dma_start3A_89 = arith.constant 0 : i32
      %dma_start3A_90 = arith.constant 0 : i32
      %dma_start3A_91 = tpu.memref_slice %arg4[%dma_start3A_89, %dma_start3A_90] : memref<32x1024xf32, #tpu.memory_space<vmem>> -> memref<2x1024xf32, #tpu.memory_space<vmem>>
      %dma_start3A_92 = arith.constant 2048 : i32
      %dma_start3A_93 = arith.constant 0 : i32
      %dma_start3A_94 = tpu.memref_slice %arg2[%dma_start3A, %dma_start3A_92, %dma_start3A_93] : memref<12x2050x1024xf32, #tpu.memory_space<hbm>> -> memref<1x2x1024xf32, #tpu.memory_space<hbm>>
      %dma_start3A_95 = tpu.memref_squeeze %dma_start3A_94 : memref<1x2x1024xf32, #tpu.memory_space<hbm>> -> memref<2x1024xf32, #tpu.memory_space<hbm>>
      %dma_start3A_96 = arith.constant 0 : i32
      %dma_start3A_97 = arith.constant 0 : i32
      %dma_start3A_98 = tpu.memref_slice %arg4[%dma_start3A_96, %dma_start3A_97] : memref<32x1024xf32, #tpu.memory_space<vmem>> -> memref<2x1024xf32, #tpu.memory_space<vmem>>
      %dma_start3A_99 = arith.constant 2048 : i32
      %dma_start3A_100 = arith.constant 0 : i32
      %dma_start3A_101 = tpu.memref_slice %arg2[%dma_start3A, %dma_start3A_99, %dma_start3A_100] : memref<12x2050x1024xf32, #tpu.memory_space<hbm>> -> memref<1x2x1024xf32, #tpu.memory_space<hbm>>
      %dma_start3A_102 = tpu.memref_squeeze %dma_start3A_101 : memref<1x2x1024xf32, #tpu.memory_space<hbm>> -> memref<2x1024xf32, #tpu.memory_space<hbm>>
      tpu.enqueue_dma source(%dma_start3A_102 : memref<2x1024xf32, #tpu.memory_space<hbm>>) target(%dma_start3A_98 : memref<2x1024xf32, #tpu.memory_space<vmem>>) target_semaphore(%arg7 : memref<!tpu.dma_semaphore, #tpu.memory_space<semaphore_mem>>)
      %dma_wait3A = arith.constant 5 : i32
      %dma_wait3A_103 = arith.constant 0 : i32
      %dma_wait3A_104 = arith.constant 0 : i32
      %dma_wait3A_105 = tpu.memref_slice %arg4[%dma_wait3A_103, %dma_wait3A_104] : memref<32x1024xf32, #tpu.memory_space<vmem>> -> memref<2x1024xf32, #tpu.memory_space<vmem>>
      %dma_wait3A_106 = arith.constant 2048 : i32
      %dma_wait3A_107 = arith.constant 0 : i32
      %dma_wait3A_108 = tpu.memref_slice %arg2[%dma_wait3A, %dma_wait3A_106, %dma_wait3A_107] : memref<12x2050x1024xf32, #tpu.memory_space<hbm>> -> memref<1x2x1024xf32, #tpu.memory_space<hbm>>
      %dma_wait3A_109 = tpu.memref_squeeze %dma_wait3A_108 : memref<1x2x1024xf32, #tpu.memory_space<hbm>> -> memref<2x1024xf32, #tpu.memory_space<hbm>>
      %dma_wait3A_110 = arith.constant 0 : i32
      %dma_wait3A_111 = arith.constant 0 : i32
      %dma_wait3A_112 = tpu.memref_slice %arg4[%dma_wait3A_110, %dma_wait3A_111] : memref<32x1024xf32, #tpu.memory_space<vmem>> -> memref<2x1024xf32, #tpu.memory_space<vmem>>
      %dma_wait3A_113 = arith.constant 2048 : i32
      %dma_wait3A_114 = arith.constant 0 : i32
      %dma_wait3A_115 = tpu.memref_slice %arg2[%dma_wait3A, %dma_wait3A_113, %dma_wait3A_114] : memref<12x2050x1024xf32, #tpu.memory_space<hbm>> -> memref<1x2x1024xf32, #tpu.memory_space<hbm>>
      %dma_wait3A_116 = tpu.memref_squeeze %dma_wait3A_115 : memref<1x2x1024xf32, #tpu.memory_space<hbm>> -> memref<2x1024xf32, #tpu.memory_space<hbm>>
      tpu.wait_dma2 semaphore(%arg7 : memref<!tpu.dma_semaphore, #tpu.memory_space<semaphore_mem>>) src(%dma_wait3A_116 : memref<2x1024xf32, #tpu.memory_space<hbm>>) dst(%dma_wait3A_112 : memref<2x1024xf32, #tpu.memory_space<vmem>>)
      %dma_start3A_117 = arith.constant 5 : i32
      %dma_start3A_118 = arith.constant 0 : i32
      %dma_start3A_119 = arith.constant 0 : i32
      %dma_start3A_120 = tpu.memref_slice %arg4[%dma_start3A_118, %dma_start3A_119] : memref<32x1024xf32, #tpu.memory_space<vmem>> -> memref<2x1024xf32, #tpu.memory_space<vmem>>
      %dma_start3A_121 = arith.constant 2048 : i32
      %dma_start3A_122 = arith.constant 0 : i32
      %dma_start3A_123 = tpu.memref_slice %arg3[%dma_start3A_117, %dma_start3A_121, %dma_start3A_122] : memref<12x2050x1024xf32, #tpu.memory_space<hbm>> -> memref<1x2x1024xf32, #tpu.memory_space<hbm>>
      %dma_start3A_124 = tpu.memref_squeeze %dma_start3A_123 : memref<1x2x1024xf32, #tpu.memory_space<hbm>> -> memref<2x1024xf32, #tpu.memory_space<hbm>>
      %dma_start3A_125 = arith.constant 2048 : i32
      %dma_start3A_126 = arith.constant 0 : i32
      %dma_start3A_127 = tpu.memref_slice %arg3[%dma_start3A_117, %dma_start3A_125, %dma_start3A_126] : memref<12x2050x1024xf32, #tpu.memory_space<hbm>> -> memref<1x2x1024xf32, #tpu.memory_space<hbm>>
      %dma_start3A_128 = tpu.memref_squeeze %dma_start3A_127 : memref<1x2x1024xf32, #tpu.memory_space<hbm>> -> memref<2x1024xf32, #tpu.memory_space<hbm>>
      %dma_start3A_129 = arith.constant 0 : i32
      %dma_start3A_130 = arith.constant 0 : i32
      %dma_start3A_131 = tpu.memref_slice %arg4[%dma_start3A_129, %dma_start3A_130] : memref<32x1024xf32, #tpu.memory_space<vmem>> -> memref<2x1024xf32, #tpu.memory_space<vmem>>
      tpu.enqueue_dma source(%dma_start3A_131 : memref<2x1024xf32, #tpu.memory_space<vmem>>) target(%dma_start3A_128 : memref<2x1024xf32, #tpu.memory_space<hbm>>) target_semaphore(%arg10 : memref<!tpu.dma_semaphore, #tpu.memory_space<semaphore_mem>>)
      %dma_wait3A_132 = arith.constant 5 : i32
      %dma_wait3A_133 = arith.constant 0 : i32
      %dma_wait3A_134 = arith.constant 0 : i32
      %dma_wait3A_135 = tpu.memref_slice %arg4[%dma_wait3A_133, %dma_wait3A_134] : memref<32x1024xf32, #tpu.memory_space<vmem>> -> memref<2x1024xf32, #tpu.memory_space<vmem>>
      %dma_wait3A_136 = arith.constant 2048 : i32
      %dma_wait3A_137 = arith.constant 0 : i32
      %dma_wait3A_138 = tpu.memref_slice %arg3[%dma_wait3A_132, %dma_wait3A_136, %dma_wait3A_137] : memref<12x2050x1024xf32, #tpu.memory_space<hbm>> -> memref<1x2x1024xf32, #tpu.memory_space<hbm>>
      %dma_wait3A_139 = tpu.memref_squeeze %dma_wait3A_138 : memref<1x2x1024xf32, #tpu.memory_space<hbm>> -> memref<2x1024xf32, #tpu.memory_space<hbm>>
      %dma_wait3A_140 = arith.constant 2048 : i32
      %dma_wait3A_141 = arith.constant 0 : i32
      %dma_wait3A_142 = tpu.memref_slice %arg3[%dma_wait3A_132, %dma_wait3A_140, %dma_wait3A_141] : memref<12x2050x1024xf32, #tpu.memory_space<hbm>> -> memref<1x2x1024xf32, #tpu.memory_space<hbm>>
      %dma_wait3A_143 = tpu.memref_squeeze %dma_wait3A_142 : memref<1x2x1024xf32, #tpu.memory_space<hbm>> -> memref<2x1024xf32, #tpu.memory_space<hbm>>
      %dma_wait3A_144 = arith.constant 0 : i32
      %dma_wait3A_145 = arith.constant 0 : i32
      %dma_wait3A_146 = tpu.memref_slice %arg4[%dma_wait3A_144, %dma_wait3A_145] : memref<32x1024xf32, #tpu.memory_space<vmem>> -> memref<2x1024xf32, #tpu.memory_space<vmem>>
      tpu.wait_dma2 semaphore(%arg10 : memref<!tpu.dma_semaphore, #tpu.memory_space<semaphore_mem>>) src(%dma_wait3A_146 : memref<2x1024xf32, #tpu.memory_space<vmem>>) dst(%dma_wait3A_143 : memref<2x1024xf32, #tpu.memory_space<hbm>>)
    } else {
    }
    %eq3A_28 = arith.constant 6 : i32
    %eq3A_29 = arith.cmpi eq, %add3A, %eq3A_28 : i32
    %convert_element_type3A_30 = arith.extui %eq3A_29 : i1 to i32
    %cond3A_31 = arith.constant 0 : i32
    %cond3A_32 = arith.cmpi ne, %convert_element_type3A_30, %cond3A_31 : i32
    scf.if %cond3A_32 {
      %dma_start3A = arith.constant 6 : i32
      %dma_start3A_89 = arith.constant 0 : i32
      %dma_start3A_90 = arith.constant 0 : i32
      %dma_start3A_91 = tpu.memref_slice %arg4[%dma_start3A_89, %dma_start3A_90] : memref<32x1024xf32, #tpu.memory_space<vmem>> -> memref<2x1024xf32, #tpu.memory_space<vmem>>
      %dma_start3A_92 = arith.constant 2048 : i32
      %dma_start3A_93 = arith.constant 0 : i32
      %dma_start3A_94 = tpu.memref_slice %arg2[%dma_start3A, %dma_start3A_92, %dma_start3A_93] : memref<12x2050x1024xf32, #tpu.memory_space<hbm>> -> memref<1x2x1024xf32, #tpu.memory_space<hbm>>
      %dma_start3A_95 = tpu.memref_squeeze %dma_start3A_94 : memref<1x2x1024xf32, #tpu.memory_space<hbm>> -> memref<2x1024xf32, #tpu.memory_space<hbm>>
      %dma_start3A_96 = arith.constant 0 : i32
      %dma_start3A_97 = arith.constant 0 : i32
      %dma_start3A_98 = tpu.memref_slice %arg4[%dma_start3A_96, %dma_start3A_97] : memref<32x1024xf32, #tpu.memory_space<vmem>> -> memref<2x1024xf32, #tpu.memory_space<vmem>>
      %dma_start3A_99 = arith.constant 2048 : i32
      %dma_start3A_100 = arith.constant 0 : i32
      %dma_start3A_101 = tpu.memref_slice %arg2[%dma_start3A, %dma_start3A_99, %dma_start3A_100] : memref<12x2050x1024xf32, #tpu.memory_space<hbm>> -> memref<1x2x1024xf32, #tpu.memory_space<hbm>>
      %dma_start3A_102 = tpu.memref_squeeze %dma_start3A_101 : memref<1x2x1024xf32, #tpu.memory_space<hbm>> -> memref<2x1024xf32, #tpu.memory_space<hbm>>
      tpu.enqueue_dma source(%dma_start3A_102 : memref<2x1024xf32, #tpu.memory_space<hbm>>) target(%dma_start3A_98 : memref<2x1024xf32, #tpu.memory_space<vmem>>) target_semaphore(%arg7 : memref<!tpu.dma_semaphore, #tpu.memory_space<semaphore_mem>>)
      %dma_wait3A = arith.constant 6 : i32
      %dma_wait3A_103 = arith.constant 0 : i32
      %dma_wait3A_104 = arith.constant 0 : i32
      %dma_wait3A_105 = tpu.memref_slice %arg4[%dma_wait3A_103, %dma_wait3A_104] : memref<32x1024xf32, #tpu.memory_space<vmem>> -> memref<2x1024xf32, #tpu.memory_space<vmem>>
      %dma_wait3A_106 = arith.constant 2048 : i32
      %dma_wait3A_107 = arith.constant 0 : i32
      %dma_wait3A_108 = tpu.memref_slice %arg2[%dma_wait3A, %dma_wait3A_106, %dma_wait3A_107] : memref<12x2050x1024xf32, #tpu.memory_space<hbm>> -> memref<1x2x1024xf32, #tpu.memory_space<hbm>>
      %dma_wait3A_109 = tpu.memref_squeeze %dma_wait3A_108 : memref<1x2x1024xf32, #tpu.memory_space<hbm>> -> memref<2x1024xf32, #tpu.memory_space<hbm>>
      %dma_wait3A_110 = arith.constant 0 : i32
      %dma_wait3A_111 = arith.constant 0 : i32
      %dma_wait3A_112 = tpu.memref_slice %arg4[%dma_wait3A_110, %dma_wait3A_111] : memref<32x1024xf32, #tpu.memory_space<vmem>> -> memref<2x1024xf32, #tpu.memory_space<vmem>>
      %dma_wait3A_113 = arith.constant 2048 : i32
      %dma_wait3A_114 = arith.constant 0 : i32
      %dma_wait3A_115 = tpu.memref_slice %arg2[%dma_wait3A, %dma_wait3A_113, %dma_wait3A_114] : memref<12x2050x1024xf32, #tpu.memory_space<hbm>> -> memref<1x2x1024xf32, #tpu.memory_space<hbm>>
      %dma_wait3A_116 = tpu.memref_squeeze %dma_wait3A_115 : memref<1x2x1024xf32, #tpu.memory_space<hbm>> -> memref<2x1024xf32, #tpu.memory_space<hbm>>
      tpu.wait_dma2 semaphore(%arg7 : memref<!tpu.dma_semaphore, #tpu.memory_space<semaphore_mem>>) src(%dma_wait3A_116 : memref<2x1024xf32, #tpu.memory_space<hbm>>) dst(%dma_wait3A_112 : memref<2x1024xf32, #tpu.memory_space<vmem>>)
      %dma_start3A_117 = arith.constant 6 : i32
      %dma_start3A_118 = arith.constant 0 : i32
      %dma_start3A_119 = arith.constant 0 : i32
      %dma_start3A_120 = tpu.memref_slice %arg4[%dma_start3A_118, %dma_start3A_119] : memref<32x1024xf32, #tpu.memory_space<vmem>> -> memref<2x1024xf32, #tpu.memory_space<vmem>>
      %dma_start3A_121 = arith.constant 2048 : i32
      %dma_start3A_122 = arith.constant 0 : i32
      %dma_start3A_123 = tpu.memref_slice %arg3[%dma_start3A_117, %dma_start3A_121, %dma_start3A_122] : memref<12x2050x1024xf32, #tpu.memory_space<hbm>> -> memref<1x2x1024xf32, #tpu.memory_space<hbm>>
      %dma_start3A_124 = tpu.memref_squeeze %dma_start3A_123 : memref<1x2x1024xf32, #tpu.memory_space<hbm>> -> memref<2x1024xf32, #tpu.memory_space<hbm>>
      %dma_start3A_125 = arith.constant 2048 : i32
      %dma_start3A_126 = arith.constant 0 : i32
      %dma_start3A_127 = tpu.memref_slice %arg3[%dma_start3A_117, %dma_start3A_125, %dma_start3A_126] : memref<12x2050x1024xf32, #tpu.memory_space<hbm>> -> memref<1x2x1024xf32, #tpu.memory_space<hbm>>
      %dma_start3A_128 = tpu.memref_squeeze %dma_start3A_127 : memref<1x2x1024xf32, #tpu.memory_space<hbm>> -> memref<2x1024xf32, #tpu.memory_space<hbm>>
      %dma_start3A_129 = arith.constant 0 : i32
      %dma_start3A_130 = arith.constant 0 : i32
      %dma_start3A_131 = tpu.memref_slice %arg4[%dma_start3A_129, %dma_start3A_130] : memref<32x1024xf32, #tpu.memory_space<vmem>> -> memref<2x1024xf32, #tpu.memory_space<vmem>>
      tpu.enqueue_dma source(%dma_start3A_131 : memref<2x1024xf32, #tpu.memory_space<vmem>>) target(%dma_start3A_128 : memref<2x1024xf32, #tpu.memory_space<hbm>>) target_semaphore(%arg10 : memref<!tpu.dma_semaphore, #tpu.memory_space<semaphore_mem>>)
      %dma_wait3A_132 = arith.constant 6 : i32
      %dma_wait3A_133 = arith.constant 0 : i32
      %dma_wait3A_134 = arith.constant 0 : i32
      %dma_wait3A_135 = tpu.memref_slice %arg4[%dma_wait3A_133, %dma_wait3A_134] : memref<32x1024xf32, #tpu.memory_space<vmem>> -> memref<2x1024xf32, #tpu.memory_space<vmem>>
      %dma_wait3A_136 = arith.constant 2048 : i32
      %dma_wait3A_137 = arith.constant 0 : i32
      %dma_wait3A_138 = tpu.memref_slice %arg3[%dma_wait3A_132, %dma_wait3A_136, %dma_wait3A_137] : memref<12x2050x1024xf32, #tpu.memory_space<hbm>> -> memref<1x2x1024xf32, #tpu.memory_space<hbm>>
      %dma_wait3A_139 = tpu.memref_squeeze %dma_wait3A_138 : memref<1x2x1024xf32, #tpu.memory_space<hbm>> -> memref<2x1024xf32, #tpu.memory_space<hbm>>
      %dma_wait3A_140 = arith.constant 2048 : i32
      %dma_wait3A_141 = arith.constant 0 : i32
      %dma_wait3A_142 = tpu.memref_slice %arg3[%dma_wait3A_132, %dma_wait3A_140, %dma_wait3A_141] : memref<12x2050x1024xf32, #tpu.memory_space<hbm>> -> memref<1x2x1024xf32, #tpu.memory_space<hbm>>
      %dma_wait3A_143 = tpu.memref_squeeze %dma_wait3A_142 : memref<1x2x1024xf32, #tpu.memory_space<hbm>> -> memref<2x1024xf32, #tpu.memory_space<hbm>>
      %dma_wait3A_144 = arith.constant 0 : i32
      %dma_wait3A_145 = arith.constant 0 : i32
      %dma_wait3A_146 = tpu.memref_slice %arg4[%dma_wait3A_144, %dma_wait3A_145] : memref<32x1024xf32, #tpu.memory_space<vmem>> -> memref<2x1024xf32, #tpu.memory_space<vmem>>
      tpu.wait_dma2 semaphore(%arg10 : memref<!tpu.dma_semaphore, #tpu.memory_space<semaphore_mem>>) src(%dma_wait3A_146 : memref<2x1024xf32, #tpu.memory_space<vmem>>) dst(%dma_wait3A_143 : memref<2x1024xf32, #tpu.memory_space<hbm>>)
    } else {
    }
    %eq3A_33 = arith.constant 7 : i32
    %eq3A_34 = arith.cmpi eq, %add3A, %eq3A_33 : i32
    %convert_element_type3A_35 = arith.extui %eq3A_34 : i1 to i32
    %cond3A_36 = arith.constant 0 : i32
    %cond3A_37 = arith.cmpi ne, %convert_element_type3A_35, %cond3A_36 : i32
    scf.if %cond3A_37 {
      %dma_start3A = arith.constant 7 : i32
      %dma_start3A_89 = arith.constant 0 : i32
      %dma_start3A_90 = arith.constant 0 : i32
      %dma_start3A_91 = tpu.memref_slice %arg4[%dma_start3A_89, %dma_start3A_90] : memref<32x1024xf32, #tpu.memory_space<vmem>> -> memref<2x1024xf32, #tpu.memory_space<vmem>>
      %dma_start3A_92 = arith.constant 2048 : i32
      %dma_start3A_93 = arith.constant 0 : i32
      %dma_start3A_94 = tpu.memref_slice %arg2[%dma_start3A, %dma_start3A_92, %dma_start3A_93] : memref<12x2050x1024xf32, #tpu.memory_space<hbm>> -> memref<1x2x1024xf32, #tpu.memory_space<hbm>>
      %dma_start3A_95 = tpu.memref_squeeze %dma_start3A_94 : memref<1x2x1024xf32, #tpu.memory_space<hbm>> -> memref<2x1024xf32, #tpu.memory_space<hbm>>
      %dma_start3A_96 = arith.constant 0 : i32
      %dma_start3A_97 = arith.constant 0 : i32
      %dma_start3A_98 = tpu.memref_slice %arg4[%dma_start3A_96, %dma_start3A_97] : memref<32x1024xf32, #tpu.memory_space<vmem>> -> memref<2x1024xf32, #tpu.memory_space<vmem>>
      %dma_start3A_99 = arith.constant 2048 : i32
      %dma_start3A_100 = arith.constant 0 : i32
      %dma_start3A_101 = tpu.memref_slice %arg2[%dma_start3A, %dma_start3A_99, %dma_start3A_100] : memref<12x2050x1024xf32, #tpu.memory_space<hbm>> -> memref<1x2x1024xf32, #tpu.memory_space<hbm>>
      %dma_start3A_102 = tpu.memref_squeeze %dma_start3A_101 : memref<1x2x1024xf32, #tpu.memory_space<hbm>> -> memref<2x1024xf32, #tpu.memory_space<hbm>>
      tpu.enqueue_dma source(%dma_start3A_102 : memref<2x1024xf32, #tpu.memory_space<hbm>>) target(%dma_start3A_98 : memref<2x1024xf32, #tpu.memory_space<vmem>>) target_semaphore(%arg7 : memref<!tpu.dma_semaphore, #tpu.memory_space<semaphore_mem>>)
      %dma_wait3A = arith.constant 7 : i32
      %dma_wait3A_103 = arith.constant 0 : i32
      %dma_wait3A_104 = arith.constant 0 : i32
      %dma_wait3A_105 = tpu.memref_slice %arg4[%dma_wait3A_103, %dma_wait3A_104] : memref<32x1024xf32, #tpu.memory_space<vmem>> -> memref<2x1024xf32, #tpu.memory_space<vmem>>
      %dma_wait3A_106 = arith.constant 2048 : i32
      %dma_wait3A_107 = arith.constant 0 : i32
      %dma_wait3A_108 = tpu.memref_slice %arg2[%dma_wait3A, %dma_wait3A_106, %dma_wait3A_107] : memref<12x2050x1024xf32, #tpu.memory_space<hbm>> -> memref<1x2x1024xf32, #tpu.memory_space<hbm>>
      %dma_wait3A_109 = tpu.memref_squeeze %dma_wait3A_108 : memref<1x2x1024xf32, #tpu.memory_space<hbm>> -> memref<2x1024xf32, #tpu.memory_space<hbm>>
      %dma_wait3A_110 = arith.constant 0 : i32
      %dma_wait3A_111 = arith.constant 0 : i32
      %dma_wait3A_112 = tpu.memref_slice %arg4[%dma_wait3A_110, %dma_wait3A_111] : memref<32x1024xf32, #tpu.memory_space<vmem>> -> memref<2x1024xf32, #tpu.memory_space<vmem>>
      %dma_wait3A_113 = arith.constant 2048 : i32
      %dma_wait3A_114 = arith.constant 0 : i32
      %dma_wait3A_115 = tpu.memref_slice %arg2[%dma_wait3A, %dma_wait3A_113, %dma_wait3A_114] : memref<12x2050x1024xf32, #tpu.memory_space<hbm>> -> memref<1x2x1024xf32, #tpu.memory_space<hbm>>
      %dma_wait3A_116 = tpu.memref_squeeze %dma_wait3A_115 : memref<1x2x1024xf32, #tpu.memory_space<hbm>> -> memref<2x1024xf32, #tpu.memory_space<hbm>>
      tpu.wait_dma2 semaphore(%arg7 : memref<!tpu.dma_semaphore, #tpu.memory_space<semaphore_mem>>) src(%dma_wait3A_116 : memref<2x1024xf32, #tpu.memory_space<hbm>>) dst(%dma_wait3A_112 : memref<2x1024xf32, #tpu.memory_space<vmem>>)
      %dma_start3A_117 = arith.constant 7 : i32
      %dma_start3A_118 = arith.constant 0 : i32
      %dma_start3A_119 = arith.constant 0 : i32
      %dma_start3A_120 = tpu.memref_slice %arg4[%dma_start3A_118, %dma_start3A_119] : memref<32x1024xf32, #tpu.memory_space<vmem>> -> memref<2x1024xf32, #tpu.memory_space<vmem>>
      %dma_start3A_121 = arith.constant 2048 : i32
      %dma_start3A_122 = arith.constant 0 : i32
      %dma_start3A_123 = tpu.memref_slice %arg3[%dma_start3A_117, %dma_start3A_121, %dma_start3A_122] : memref<12x2050x1024xf32, #tpu.memory_space<hbm>> -> memref<1x2x1024xf32, #tpu.memory_space<hbm>>
      %dma_start3A_124 = tpu.memref_squeeze %dma_start3A_123 : memref<1x2x1024xf32, #tpu.memory_space<hbm>> -> memref<2x1024xf32, #tpu.memory_space<hbm>>
      %dma_start3A_125 = arith.constant 2048 : i32
      %dma_start3A_126 = arith.constant 0 : i32
      %dma_start3A_127 = tpu.memref_slice %arg3[%dma_start3A_117, %dma_start3A_125, %dma_start3A_126] : memref<12x2050x1024xf32, #tpu.memory_space<hbm>> -> memref<1x2x1024xf32, #tpu.memory_space<hbm>>
      %dma_start3A_128 = tpu.memref_squeeze %dma_start3A_127 : memref<1x2x1024xf32, #tpu.memory_space<hbm>> -> memref<2x1024xf32, #tpu.memory_space<hbm>>
      %dma_start3A_129 = arith.constant 0 : i32
      %dma_start3A_130 = arith.constant 0 : i32
      %dma_start3A_131 = tpu.memref_slice %arg4[%dma_start3A_129, %dma_start3A_130] : memref<32x1024xf32, #tpu.memory_space<vmem>> -> memref<2x1024xf32, #tpu.memory_space<vmem>>
      tpu.enqueue_dma source(%dma_start3A_131 : memref<2x1024xf32, #tpu.memory_space<vmem>>) target(%dma_start3A_128 : memref<2x1024xf32, #tpu.memory_space<hbm>>) target_semaphore(%arg10 : memref<!tpu.dma_semaphore, #tpu.memory_space<semaphore_mem>>)
      %dma_wait3A_132 = arith.constant 7 : i32
      %dma_wait3A_133 = arith.constant 0 : i32
      %dma_wait3A_134 = arith.constant 0 : i32
      %dma_wait3A_135 = tpu.memref_slice %arg4[%dma_wait3A_133, %dma_wait3A_134] : memref<32x1024xf32, #tpu.memory_space<vmem>> -> memref<2x1024xf32, #tpu.memory_space<vmem>>
      %dma_wait3A_136 = arith.constant 2048 : i32
      %dma_wait3A_137 = arith.constant 0 : i32
      %dma_wait3A_138 = tpu.memref_slice %arg3[%dma_wait3A_132, %dma_wait3A_136, %dma_wait3A_137] : memref<12x2050x1024xf32, #tpu.memory_space<hbm>> -> memref<1x2x1024xf32, #tpu.memory_space<hbm>>
      %dma_wait3A_139 = tpu.memref_squeeze %dma_wait3A_138 : memref<1x2x1024xf32, #tpu.memory_space<hbm>> -> memref<2x1024xf32, #tpu.memory_space<hbm>>
      %dma_wait3A_140 = arith.constant 2048 : i32
      %dma_wait3A_141 = arith.constant 0 : i32
      %dma_wait3A_142 = tpu.memref_slice %arg3[%dma_wait3A_132, %dma_wait3A_140, %dma_wait3A_141] : memref<12x2050x1024xf32, #tpu.memory_space<hbm>> -> memref<1x2x1024xf32, #tpu.memory_space<hbm>>
      %dma_wait3A_143 = tpu.memref_squeeze %dma_wait3A_142 : memref<1x2x1024xf32, #tpu.memory_space<hbm>> -> memref<2x1024xf32, #tpu.memory_space<hbm>>
      %dma_wait3A_144 = arith.constant 0 : i32
      %dma_wait3A_145 = arith.constant 0 : i32
      %dma_wait3A_146 = tpu.memref_slice %arg4[%dma_wait3A_144, %dma_wait3A_145] : memref<32x1024xf32, #tpu.memory_space<vmem>> -> memref<2x1024xf32, #tpu.memory_space<vmem>>
      tpu.wait_dma2 semaphore(%arg10 : memref<!tpu.dma_semaphore, #tpu.memory_space<semaphore_mem>>) src(%dma_wait3A_146 : memref<2x1024xf32, #tpu.memory_space<vmem>>) dst(%dma_wait3A_143 : memref<2x1024xf32, #tpu.memory_space<hbm>>)
    } else {
    }
    %eq3A_38 = arith.constant 8 : i32
    %eq3A_39 = arith.cmpi eq, %add3A, %eq3A_38 : i32
    %convert_element_type3A_40 = arith.extui %eq3A_39 : i1 to i32
    %cond3A_41 = arith.constant 0 : i32
    %cond3A_42 = arith.cmpi ne, %convert_element_type3A_40, %cond3A_41 : i32
    scf.if %cond3A_42 {
      %dma_start3A = arith.constant 8 : i32
      %dma_start3A_89 = arith.constant 0 : i32
      %dma_start3A_90 = arith.constant 0 : i32
      %dma_start3A_91 = tpu.memref_slice %arg4[%dma_start3A_89, %dma_start3A_90] : memref<32x1024xf32, #tpu.memory_space<vmem>> -> memref<2x1024xf32, #tpu.memory_space<vmem>>
      %dma_start3A_92 = arith.constant 2048 : i32
      %dma_start3A_93 = arith.constant 0 : i32
      %dma_start3A_94 = tpu.memref_slice %arg2[%dma_start3A, %dma_start3A_92, %dma_start3A_93] : memref<12x2050x1024xf32, #tpu.memory_space<hbm>> -> memref<1x2x1024xf32, #tpu.memory_space<hbm>>
      %dma_start3A_95 = tpu.memref_squeeze %dma_start3A_94 : memref<1x2x1024xf32, #tpu.memory_space<hbm>> -> memref<2x1024xf32, #tpu.memory_space<hbm>>
      %dma_start3A_96 = arith.constant 0 : i32
      %dma_start3A_97 = arith.constant 0 : i32
      %dma_start3A_98 = tpu.memref_slice %arg4[%dma_start3A_96, %dma_start3A_97] : memref<32x1024xf32, #tpu.memory_space<vmem>> -> memref<2x1024xf32, #tpu.memory_space<vmem>>
      %dma_start3A_99 = arith.constant 2048 : i32
      %dma_start3A_100 = arith.constant 0 : i32
      %dma_start3A_101 = tpu.memref_slice %arg2[%dma_start3A, %dma_start3A_99, %dma_start3A_100] : memref<12x2050x1024xf32, #tpu.memory_space<hbm>> -> memref<1x2x1024xf32, #tpu.memory_space<hbm>>
      %dma_start3A_102 = tpu.memref_squeeze %dma_start3A_101 : memref<1x2x1024xf32, #tpu.memory_space<hbm>> -> memref<2x1024xf32, #tpu.memory_space<hbm>>
      tpu.enqueue_dma source(%dma_start3A_102 : memref<2x1024xf32, #tpu.memory_space<hbm>>) target(%dma_start3A_98 : memref<2x1024xf32, #tpu.memory_space<vmem>>) target_semaphore(%arg7 : memref<!tpu.dma_semaphore, #tpu.memory_space<semaphore_mem>>)
      %dma_wait3A = arith.constant 8 : i32
      %dma_wait3A_103 = arith.constant 0 : i32
      %dma_wait3A_104 = arith.constant 0 : i32
      %dma_wait3A_105 = tpu.memref_slice %arg4[%dma_wait3A_103, %dma_wait3A_104] : memref<32x1024xf32, #tpu.memory_space<vmem>> -> memref<2x1024xf32, #tpu.memory_space<vmem>>
      %dma_wait3A_106 = arith.constant 2048 : i32
      %dma_wait3A_107 = arith.constant 0 : i32
      %dma_wait3A_108 = tpu.memref_slice %arg2[%dma_wait3A, %dma_wait3A_106, %dma_wait3A_107] : memref<12x2050x1024xf32, #tpu.memory_space<hbm>> -> memref<1x2x1024xf32, #tpu.memory_space<hbm>>
      %dma_wait3A_109 = tpu.memref_squeeze %dma_wait3A_108 : memref<1x2x1024xf32, #tpu.memory_space<hbm>> -> memref<2x1024xf32, #tpu.memory_space<hbm>>
      %dma_wait3A_110 = arith.constant 0 : i32
      %dma_wait3A_111 = arith.constant 0 : i32
      %dma_wait3A_112 = tpu.memref_slice %arg4[%dma_wait3A_110, %dma_wait3A_111] : memref<32x1024xf32, #tpu.memory_space<vmem>> -> memref<2x1024xf32, #tpu.memory_space<vmem>>
      %dma_wait3A_113 = arith.constant 2048 : i32
      %dma_wait3A_114 = arith.constant 0 : i32
      %dma_wait3A_115 = tpu.memref_slice %arg2[%dma_wait3A, %dma_wait3A_113, %dma_wait3A_114] : memref<12x2050x1024xf32, #tpu.memory_space<hbm>> -> memref<1x2x1024xf32, #tpu.memory_space<hbm>>
      %dma_wait3A_116 = tpu.memref_squeeze %dma_wait3A_115 : memref<1x2x1024xf32, #tpu.memory_space<hbm>> -> memref<2x1024xf32, #tpu.memory_space<hbm>>
      tpu.wait_dma2 semaphore(%arg7 : memref<!tpu.dma_semaphore, #tpu.memory_space<semaphore_mem>>) src(%dma_wait3A_116 : memref<2x1024xf32, #tpu.memory_space<hbm>>) dst(%dma_wait3A_112 : memref<2x1024xf32, #tpu.memory_space<vmem>>)
      %dma_start3A_117 = arith.constant 8 : i32
      %dma_start3A_118 = arith.constant 0 : i32
      %dma_start3A_119 = arith.constant 0 : i32
      %dma_start3A_120 = tpu.memref_slice %arg4[%dma_start3A_118, %dma_start3A_119] : memref<32x1024xf32, #tpu.memory_space<vmem>> -> memref<2x1024xf32, #tpu.memory_space<vmem>>
      %dma_start3A_121 = arith.constant 2048 : i32
      %dma_start3A_122 = arith.constant 0 : i32
      %dma_start3A_123 = tpu.memref_slice %arg3[%dma_start3A_117, %dma_start3A_121, %dma_start3A_122] : memref<12x2050x1024xf32, #tpu.memory_space<hbm>> -> memref<1x2x1024xf32, #tpu.memory_space<hbm>>
      %dma_start3A_124 = tpu.memref_squeeze %dma_start3A_123 : memref<1x2x1024xf32, #tpu.memory_space<hbm>> -> memref<2x1024xf32, #tpu.memory_space<hbm>>
      %dma_start3A_125 = arith.constant 2048 : i32
      %dma_start3A_126 = arith.constant 0 : i32
      %dma_start3A_127 = tpu.memref_slice %arg3[%dma_start3A_117, %dma_start3A_125, %dma_start3A_126] : memref<12x2050x1024xf32, #tpu.memory_space<hbm>> -> memref<1x2x1024xf32, #tpu.memory_space<hbm>>
      %dma_start3A_128 = tpu.memref_squeeze %dma_start3A_127 : memref<1x2x1024xf32, #tpu.memory_space<hbm>> -> memref<2x1024xf32, #tpu.memory_space<hbm>>
      %dma_start3A_129 = arith.constant 0 : i32
      %dma_start3A_130 = arith.constant 0 : i32
      %dma_start3A_131 = tpu.memref_slice %arg4[%dma_start3A_129, %dma_start3A_130] : memref<32x1024xf32, #tpu.memory_space<vmem>> -> memref<2x1024xf32, #tpu.memory_space<vmem>>
      tpu.enqueue_dma source(%dma_start3A_131 : memref<2x1024xf32, #tpu.memory_space<vmem>>) target(%dma_start3A_128 : memref<2x1024xf32, #tpu.memory_space<hbm>>) target_semaphore(%arg10 : memref<!tpu.dma_semaphore, #tpu.memory_space<semaphore_mem>>)
      %dma_wait3A_132 = arith.constant 8 : i32
      %dma_wait3A_133 = arith.constant 0 : i32
      %dma_wait3A_134 = arith.constant 0 : i32
      %dma_wait3A_135 = tpu.memref_slice %arg4[%dma_wait3A_133, %dma_wait3A_134] : memref<32x1024xf32, #tpu.memory_space<vmem>> -> memref<2x1024xf32, #tpu.memory_space<vmem>>
      %dma_wait3A_136 = arith.constant 2048 : i32
      %dma_wait3A_137 = arith.constant 0 : i32
      %dma_wait3A_138 = tpu.memref_slice %arg3[%dma_wait3A_132, %dma_wait3A_136, %dma_wait3A_137] : memref<12x2050x1024xf32, #tpu.memory_space<hbm>> -> memref<1x2x1024xf32, #tpu.memory_space<hbm>>
      %dma_wait3A_139 = tpu.memref_squeeze %dma_wait3A_138 : memref<1x2x1024xf32, #tpu.memory_space<hbm>> -> memref<2x1024xf32, #tpu.memory_space<hbm>>
      %dma_wait3A_140 = arith.constant 2048 : i32
      %dma_wait3A_141 = arith.constant 0 : i32
      %dma_wait3A_142 = tpu.memref_slice %arg3[%dma_wait3A_132, %dma_wait3A_140, %dma_wait3A_141] : memref<12x2050x1024xf32, #tpu.memory_space<hbm>> -> memref<1x2x1024xf32, #tpu.memory_space<hbm>>
      %dma_wait3A_143 = tpu.memref_squeeze %dma_wait3A_142 : memref<1x2x1024xf32, #tpu.memory_space<hbm>> -> memref<2x1024xf32, #tpu.memory_space<hbm>>
      %dma_wait3A_144 = arith.constant 0 : i32
      %dma_wait3A_145 = arith.constant 0 : i32
      %dma_wait3A_146 = tpu.memref_slice %arg4[%dma_wait3A_144, %dma_wait3A_145] : memref<32x1024xf32, #tpu.memory_space<vmem>> -> memref<2x1024xf32, #tpu.memory_space<vmem>>
      tpu.wait_dma2 semaphore(%arg10 : memref<!tpu.dma_semaphore, #tpu.memory_space<semaphore_mem>>) src(%dma_wait3A_146 : memref<2x1024xf32, #tpu.memory_space<vmem>>) dst(%dma_wait3A_143 : memref<2x1024xf32, #tpu.memory_space<hbm>>)
    } else {
    }
    %eq3A_43 = arith.constant 9 : i32
    %eq3A_44 = arith.cmpi eq, %add3A, %eq3A_43 : i32
    %convert_element_type3A_45 = arith.extui %eq3A_44 : i1 to i32
    %cond3A_46 = arith.constant 0 : i32
    %cond3A_47 = arith.cmpi ne, %convert_element_type3A_45, %cond3A_46 : i32
    scf.if %cond3A_47 {
      %dma_start3A = arith.constant 9 : i32
      %dma_start3A_89 = arith.constant 0 : i32
      %dma_start3A_90 = arith.constant 0 : i32
      %dma_start3A_91 = tpu.memref_slice %arg4[%dma_start3A_89, %dma_start3A_90] : memref<32x1024xf32, #tpu.memory_space<vmem>> -> memref<2x1024xf32, #tpu.memory_space<vmem>>
      %dma_start3A_92 = arith.constant 2048 : i32
      %dma_start3A_93 = arith.constant 0 : i32
      %dma_start3A_94 = tpu.memref_slice %arg2[%dma_start3A, %dma_start3A_92, %dma_start3A_93] : memref<12x2050x1024xf32, #tpu.memory_space<hbm>> -> memref<1x2x1024xf32, #tpu.memory_space<hbm>>
      %dma_start3A_95 = tpu.memref_squeeze %dma_start3A_94 : memref<1x2x1024xf32, #tpu.memory_space<hbm>> -> memref<2x1024xf32, #tpu.memory_space<hbm>>
      %dma_start3A_96 = arith.constant 0 : i32
      %dma_start3A_97 = arith.constant 0 : i32
      %dma_start3A_98 = tpu.memref_slice %arg4[%dma_start3A_96, %dma_start3A_97] : memref<32x1024xf32, #tpu.memory_space<vmem>> -> memref<2x1024xf32, #tpu.memory_space<vmem>>
      %dma_start3A_99 = arith.constant 2048 : i32
      %dma_start3A_100 = arith.constant 0 : i32
      %dma_start3A_101 = tpu.memref_slice %arg2[%dma_start3A, %dma_start3A_99, %dma_start3A_100] : memref<12x2050x1024xf32, #tpu.memory_space<hbm>> -> memref<1x2x1024xf32, #tpu.memory_space<hbm>>
      %dma_start3A_102 = tpu.memref_squeeze %dma_start3A_101 : memref<1x2x1024xf32, #tpu.memory_space<hbm>> -> memref<2x1024xf32, #tpu.memory_space<hbm>>
      tpu.enqueue_dma source(%dma_start3A_102 : memref<2x1024xf32, #tpu.memory_space<hbm>>) target(%dma_start3A_98 : memref<2x1024xf32, #tpu.memory_space<vmem>>) target_semaphore(%arg7 : memref<!tpu.dma_semaphore, #tpu.memory_space<semaphore_mem>>)
      %dma_wait3A = arith.constant 9 : i32
      %dma_wait3A_103 = arith.constant 0 : i32
      %dma_wait3A_104 = arith.constant 0 : i32
      %dma_wait3A_105 = tpu.memref_slice %arg4[%dma_wait3A_103, %dma_wait3A_104] : memref<32x1024xf32, #tpu.memory_space<vmem>> -> memref<2x1024xf32, #tpu.memory_space<vmem>>
      %dma_wait3A_106 = arith.constant 2048 : i32
      %dma_wait3A_107 = arith.constant 0 : i32
      %dma_wait3A_108 = tpu.memref_slice %arg2[%dma_wait3A, %dma_wait3A_106, %dma_wait3A_107] : memref<12x2050x1024xf32, #tpu.memory_space<hbm>> -> memref<1x2x1024xf32, #tpu.memory_space<hbm>>
      %dma_wait3A_109 = tpu.memref_squeeze %dma_wait3A_108 : memref<1x2x1024xf32, #tpu.memory_space<hbm>> -> memref<2x1024xf32, #tpu.memory_space<hbm>>
      %dma_wait3A_110 = arith.constant 0 : i32
      %dma_wait3A_111 = arith.constant 0 : i32
      %dma_wait3A_112 = tpu.memref_slice %arg4[%dma_wait3A_110, %dma_wait3A_111] : memref<32x1024xf32, #tpu.memory_space<vmem>> -> memref<2x1024xf32, #tpu.memory_space<vmem>>
      %dma_wait3A_113 = arith.constant 2048 : i32
      %dma_wait3A_114 = arith.constant 0 : i32
      %dma_wait3A_115 = tpu.memref_slice %arg2[%dma_wait3A, %dma_wait3A_113, %dma_wait3A_114] : memref<12x2050x1024xf32, #tpu.memory_space<hbm>> -> memref<1x2x1024xf32, #tpu.memory_space<hbm>>
      %dma_wait3A_116 = tpu.memref_squeeze %dma_wait3A_115 : memref<1x2x1024xf32, #tpu.memory_space<hbm>> -> memref<2x1024xf32, #tpu.memory_space<hbm>>
      tpu.wait_dma2 semaphore(%arg7 : memref<!tpu.dma_semaphore, #tpu.memory_space<semaphore_mem>>) src(%dma_wait3A_116 : memref<2x1024xf32, #tpu.memory_space<hbm>>) dst(%dma_wait3A_112 : memref<2x1024xf32, #tpu.memory_space<vmem>>)
      %dma_start3A_117 = arith.constant 9 : i32
      %dma_start3A_118 = arith.constant 0 : i32
      %dma_start3A_119 = arith.constant 0 : i32
      %dma_start3A_120 = tpu.memref_slice %arg4[%dma_start3A_118, %dma_start3A_119] : memref<32x1024xf32, #tpu.memory_space<vmem>> -> memref<2x1024xf32, #tpu.memory_space<vmem>>
      %dma_start3A_121 = arith.constant 2048 : i32
      %dma_start3A_122 = arith.constant 0 : i32
      %dma_start3A_123 = tpu.memref_slice %arg3[%dma_start3A_117, %dma_start3A_121, %dma_start3A_122] : memref<12x2050x1024xf32, #tpu.memory_space<hbm>> -> memref<1x2x1024xf32, #tpu.memory_space<hbm>>
      %dma_start3A_124 = tpu.memref_squeeze %dma_start3A_123 : memref<1x2x1024xf32, #tpu.memory_space<hbm>> -> memref<2x1024xf32, #tpu.memory_space<hbm>>
      %dma_start3A_125 = arith.constant 2048 : i32
      %dma_start3A_126 = arith.constant 0 : i32
      %dma_start3A_127 = tpu.memref_slice %arg3[%dma_start3A_117, %dma_start3A_125, %dma_start3A_126] : memref<12x2050x1024xf32, #tpu.memory_space<hbm>> -> memref<1x2x1024xf32, #tpu.memory_space<hbm>>
      %dma_start3A_128 = tpu.memref_squeeze %dma_start3A_127 : memref<1x2x1024xf32, #tpu.memory_space<hbm>> -> memref<2x1024xf32, #tpu.memory_space<hbm>>
      %dma_start3A_129 = arith.constant 0 : i32
      %dma_start3A_130 = arith.constant 0 : i32
      %dma_start3A_131 = tpu.memref_slice %arg4[%dma_start3A_129, %dma_start3A_130] : memref<32x1024xf32, #tpu.memory_space<vmem>> -> memref<2x1024xf32, #tpu.memory_space<vmem>>
      tpu.enqueue_dma source(%dma_start3A_131 : memref<2x1024xf32, #tpu.memory_space<vmem>>) target(%dma_start3A_128 : memref<2x1024xf32, #tpu.memory_space<hbm>>) target_semaphore(%arg10 : memref<!tpu.dma_semaphore, #tpu.memory_space<semaphore_mem>>)
      %dma_wait3A_132 = arith.constant 9 : i32
      %dma_wait3A_133 = arith.constant 0 : i32
      %dma_wait3A_134 = arith.constant 0 : i32
      %dma_wait3A_135 = tpu.memref_slice %arg4[%dma_wait3A_133, %dma_wait3A_134] : memref<32x1024xf32, #tpu.memory_space<vmem>> -> memref<2x1024xf32, #tpu.memory_space<vmem>>
      %dma_wait3A_136 = arith.constant 2048 : i32
      %dma_wait3A_137 = arith.constant 0 : i32
      %dma_wait3A_138 = tpu.memref_slice %arg3[%dma_wait3A_132, %dma_wait3A_136, %dma_wait3A_137] : memref<12x2050x1024xf32, #tpu.memory_space<hbm>> -> memref<1x2x1024xf32, #tpu.memory_space<hbm>>
      %dma_wait3A_139 = tpu.memref_squeeze %dma_wait3A_138 : memref<1x2x1024xf32, #tpu.memory_space<hbm>> -> memref<2x1024xf32, #tpu.memory_space<hbm>>
      %dma_wait3A_140 = arith.constant 2048 : i32
      %dma_wait3A_141 = arith.constant 0 : i32
      %dma_wait3A_142 = tpu.memref_slice %arg3[%dma_wait3A_132, %dma_wait3A_140, %dma_wait3A_141] : memref<12x2050x1024xf32, #tpu.memory_space<hbm>> -> memref<1x2x1024xf32, #tpu.memory_space<hbm>>
      %dma_wait3A_143 = tpu.memref_squeeze %dma_wait3A_142 : memref<1x2x1024xf32, #tpu.memory_space<hbm>> -> memref<2x1024xf32, #tpu.memory_space<hbm>>
      %dma_wait3A_144 = arith.constant 0 : i32
      %dma_wait3A_145 = arith.constant 0 : i32
      %dma_wait3A_146 = tpu.memref_slice %arg4[%dma_wait3A_144, %dma_wait3A_145] : memref<32x1024xf32, #tpu.memory_space<vmem>> -> memref<2x1024xf32, #tpu.memory_space<vmem>>
      tpu.wait_dma2 semaphore(%arg10 : memref<!tpu.dma_semaphore, #tpu.memory_space<semaphore_mem>>) src(%dma_wait3A_146 : memref<2x1024xf32, #tpu.memory_space<vmem>>) dst(%dma_wait3A_143 : memref<2x1024xf32, #tpu.memory_space<hbm>>)
    } else {
    }
    %eq3A_48 = arith.constant 10 : i32
    %eq3A_49 = arith.cmpi eq, %add3A, %eq3A_48 : i32
    %convert_element_type3A_50 = arith.extui %eq3A_49 : i1 to i32
    %cond3A_51 = arith.constant 0 : i32
    %cond3A_52 = arith.cmpi ne, %convert_element_type3A_50, %cond3A_51 : i32
    scf.if %cond3A_52 {
      %dma_start3A = arith.constant 10 : i32
      %dma_start3A_89 = arith.constant 0 : i32
      %dma_start3A_90 = arith.constant 0 : i32
      %dma_start3A_91 = tpu.memref_slice %arg4[%dma_start3A_89, %dma_start3A_90] : memref<32x1024xf32, #tpu.memory_space<vmem>> -> memref<2x1024xf32, #tpu.memory_space<vmem>>
      %dma_start3A_92 = arith.constant 2048 : i32
      %dma_start3A_93 = arith.constant 0 : i32
      %dma_start3A_94 = tpu.memref_slice %arg2[%dma_start3A, %dma_start3A_92, %dma_start3A_93] : memref<12x2050x1024xf32, #tpu.memory_space<hbm>> -> memref<1x2x1024xf32, #tpu.memory_space<hbm>>
      %dma_start3A_95 = tpu.memref_squeeze %dma_start3A_94 : memref<1x2x1024xf32, #tpu.memory_space<hbm>> -> memref<2x1024xf32, #tpu.memory_space<hbm>>
      %dma_start3A_96 = arith.constant 0 : i32
      %dma_start3A_97 = arith.constant 0 : i32
      %dma_start3A_98 = tpu.memref_slice %arg4[%dma_start3A_96, %dma_start3A_97] : memref<32x1024xf32, #tpu.memory_space<vmem>> -> memref<2x1024xf32, #tpu.memory_space<vmem>>
      %dma_start3A_99 = arith.constant 2048 : i32
      %dma_start3A_100 = arith.constant 0 : i32
      %dma_start3A_101 = tpu.memref_slice %arg2[%dma_start3A, %dma_start3A_99, %dma_start3A_100] : memref<12x2050x1024xf32, #tpu.memory_space<hbm>> -> memref<1x2x1024xf32, #tpu.memory_space<hbm>>
      %dma_start3A_102 = tpu.memref_squeeze %dma_start3A_101 : memref<1x2x1024xf32, #tpu.memory_space<hbm>> -> memref<2x1024xf32, #tpu.memory_space<hbm>>
      tpu.enqueue_dma source(%dma_start3A_102 : memref<2x1024xf32, #tpu.memory_space<hbm>>) target(%dma_start3A_98 : memref<2x1024xf32, #tpu.memory_space<vmem>>) target_semaphore(%arg7 : memref<!tpu.dma_semaphore, #tpu.memory_space<semaphore_mem>>)
      %dma_wait3A = arith.constant 10 : i32
      %dma_wait3A_103 = arith.constant 0 : i32
      %dma_wait3A_104 = arith.constant 0 : i32
      %dma_wait3A_105 = tpu.memref_slice %arg4[%dma_wait3A_103, %dma_wait3A_104] : memref<32x1024xf32, #tpu.memory_space<vmem>> -> memref<2x1024xf32, #tpu.memory_space<vmem>>
      %dma_wait3A_106 = arith.constant 2048 : i32
      %dma_wait3A_107 = arith.constant 0 : i32
      %dma_wait3A_108 = tpu.memref_slice %arg2[%dma_wait3A, %dma_wait3A_106, %dma_wait3A_107] : memref<12x2050x1024xf32, #tpu.memory_space<hbm>> -> memref<1x2x1024xf32, #tpu.memory_space<hbm>>
      %dma_wait3A_109 = tpu.memref_squeeze %dma_wait3A_108 : memref<1x2x1024xf32, #tpu.memory_space<hbm>> -> memref<2x1024xf32, #tpu.memory_space<hbm>>
      %dma_wait3A_110 = arith.constant 0 : i32
      %dma_wait3A_111 = arith.constant 0 : i32
      %dma_wait3A_112 = tpu.memref_slice %arg4[%dma_wait3A_110, %dma_wait3A_111] : memref<32x1024xf32, #tpu.memory_space<vmem>> -> memref<2x1024xf32, #tpu.memory_space<vmem>>
      %dma_wait3A_113 = arith.constant 2048 : i32
      %dma_wait3A_114 = arith.constant 0 : i32
      %dma_wait3A_115 = tpu.memref_slice %arg2[%dma_wait3A, %dma_wait3A_113, %dma_wait3A_114] : memref<12x2050x1024xf32, #tpu.memory_space<hbm>> -> memref<1x2x1024xf32, #tpu.memory_space<hbm>>
      %dma_wait3A_116 = tpu.memref_squeeze %dma_wait3A_115 : memref<1x2x1024xf32, #tpu.memory_space<hbm>> -> memref<2x1024xf32, #tpu.memory_space<hbm>>
      tpu.wait_dma2 semaphore(%arg7 : memref<!tpu.dma_semaphore, #tpu.memory_space<semaphore_mem>>) src(%dma_wait3A_116 : memref<2x1024xf32, #tpu.memory_space<hbm>>) dst(%dma_wait3A_112 : memref<2x1024xf32, #tpu.memory_space<vmem>>)
      %dma_start3A_117 = arith.constant 10 : i32
      %dma_start3A_118 = arith.constant 0 : i32
      %dma_start3A_119 = arith.constant 0 : i32
      %dma_start3A_120 = tpu.memref_slice %arg4[%dma_start3A_118, %dma_start3A_119] : memref<32x1024xf32, #tpu.memory_space<vmem>> -> memref<2x1024xf32, #tpu.memory_space<vmem>>
      %dma_start3A_121 = arith.constant 2048 : i32
      %dma_start3A_122 = arith.constant 0 : i32
      %dma_start3A_123 = tpu.memref_slice %arg3[%dma_start3A_117, %dma_start3A_121, %dma_start3A_122] : memref<12x2050x1024xf32, #tpu.memory_space<hbm>> -> memref<1x2x1024xf32, #tpu.memory_space<hbm>>
      %dma_start3A_124 = tpu.memref_squeeze %dma_start3A_123 : memref<1x2x1024xf32, #tpu.memory_space<hbm>> -> memref<2x1024xf32, #tpu.memory_space<hbm>>
      %dma_start3A_125 = arith.constant 2048 : i32
      %dma_start3A_126 = arith.constant 0 : i32
      %dma_start3A_127 = tpu.memref_slice %arg3[%dma_start3A_117, %dma_start3A_125, %dma_start3A_126] : memref<12x2050x1024xf32, #tpu.memory_space<hbm>> -> memref<1x2x1024xf32, #tpu.memory_space<hbm>>
      %dma_start3A_128 = tpu.memref_squeeze %dma_start3A_127 : memref<1x2x1024xf32, #tpu.memory_space<hbm>> -> memref<2x1024xf32, #tpu.memory_space<hbm>>
      %dma_start3A_129 = arith.constant 0 : i32
      %dma_start3A_130 = arith.constant 0 : i32
      %dma_start3A_131 = tpu.memref_slice %arg4[%dma_start3A_129, %dma_start3A_130] : memref<32x1024xf32, #tpu.memory_space<vmem>> -> memref<2x1024xf32, #tpu.memory_space<vmem>>
      tpu.enqueue_dma source(%dma_start3A_131 : memref<2x1024xf32, #tpu.memory_space<vmem>>) target(%dma_start3A_128 : memref<2x1024xf32, #tpu.memory_space<hbm>>) target_semaphore(%arg10 : memref<!tpu.dma_semaphore, #tpu.memory_space<semaphore_mem>>)
      %dma_wait3A_132 = arith.constant 10 : i32
      %dma_wait3A_133 = arith.constant 0 : i32
      %dma_wait3A_134 = arith.constant 0 : i32
      %dma_wait3A_135 = tpu.memref_slice %arg4[%dma_wait3A_133, %dma_wait3A_134] : memref<32x1024xf32, #tpu.memory_space<vmem>> -> memref<2x1024xf32, #tpu.memory_space<vmem>>
      %dma_wait3A_136 = arith.constant 2048 : i32
      %dma_wait3A_137 = arith.constant 0 : i32
      %dma_wait3A_138 = tpu.memref_slice %arg3[%dma_wait3A_132, %dma_wait3A_136, %dma_wait3A_137] : memref<12x2050x1024xf32, #tpu.memory_space<hbm>> -> memref<1x2x1024xf32, #tpu.memory_space<hbm>>
      %dma_wait3A_139 = tpu.memref_squeeze %dma_wait3A_138 : memref<1x2x1024xf32, #tpu.memory_space<hbm>> -> memref<2x1024xf32, #tpu.memory_space<hbm>>
      %dma_wait3A_140 = arith.constant 2048 : i32
      %dma_wait3A_141 = arith.constant 0 : i32
      %dma_wait3A_142 = tpu.memref_slice %arg3[%dma_wait3A_132, %dma_wait3A_140, %dma_wait3A_141] : memref<12x2050x1024xf32, #tpu.memory_space<hbm>> -> memref<1x2x1024xf32, #tpu.memory_space<hbm>>
      %dma_wait3A_143 = tpu.memref_squeeze %dma_wait3A_142 : memref<1x2x1024xf32, #tpu.memory_space<hbm>> -> memref<2x1024xf32, #tpu.memory_space<hbm>>
      %dma_wait3A_144 = arith.constant 0 : i32
      %dma_wait3A_145 = arith.constant 0 : i32
      %dma_wait3A_146 = tpu.memref_slice %arg4[%dma_wait3A_144, %dma_wait3A_145] : memref<32x1024xf32, #tpu.memory_space<vmem>> -> memref<2x1024xf32, #tpu.memory_space<vmem>>
      tpu.wait_dma2 semaphore(%arg10 : memref<!tpu.dma_semaphore, #tpu.memory_space<semaphore_mem>>) src(%dma_wait3A_146 : memref<2x1024xf32, #tpu.memory_space<vmem>>) dst(%dma_wait3A_143 : memref<2x1024xf32, #tpu.memory_space<hbm>>)
    } else {
    }
    %eq3A_53 = arith.constant 11 : i32
    %eq3A_54 = arith.cmpi eq, %add3A, %eq3A_53 : i32
    %convert_element_type3A_55 = arith.extui %eq3A_54 : i1 to i32
    %cond3A_56 = arith.constant 0 : i32
    %cond3A_57 = arith.cmpi ne, %convert_element_type3A_55, %cond3A_56 : i32
    scf.if %cond3A_57 {
      %dma_start3A = arith.constant 11 : i32
      %dma_start3A_89 = arith.constant 0 : i32
      %dma_start3A_90 = arith.constant 0 : i32
      %dma_start3A_91 = tpu.memref_slice %arg4[%dma_start3A_89, %dma_start3A_90] : memref<32x1024xf32, #tpu.memory_space<vmem>> -> memref<2x1024xf32, #tpu.memory_space<vmem>>
      %dma_start3A_92 = arith.constant 2048 : i32
      %dma_start3A_93 = arith.constant 0 : i32
      %dma_start3A_94 = tpu.memref_slice %arg2[%dma_start3A, %dma_start3A_92, %dma_start3A_93] : memref<12x2050x1024xf32, #tpu.memory_space<hbm>> -> memref<1x2x1024xf32, #tpu.memory_space<hbm>>
      %dma_start3A_95 = tpu.memref_squeeze %dma_start3A_94 : memref<1x2x1024xf32, #tpu.memory_space<hbm>> -> memref<2x1024xf32, #tpu.memory_space<hbm>>
      %dma_start3A_96 = arith.constant 0 : i32
      %dma_start3A_97 = arith.constant 0 : i32
      %dma_start3A_98 = tpu.memref_slice %arg4[%dma_start3A_96, %dma_start3A_97] : memref<32x1024xf32, #tpu.memory_space<vmem>> -> memref<2x1024xf32, #tpu.memory_space<vmem>>
      %dma_start3A_99 = arith.constant 2048 : i32
      %dma_start3A_100 = arith.constant 0 : i32
      %dma_start3A_101 = tpu.memref_slice %arg2[%dma_start3A, %dma_start3A_99, %dma_start3A_100] : memref<12x2050x1024xf32, #tpu.memory_space<hbm>> -> memref<1x2x1024xf32, #tpu.memory_space<hbm>>
      %dma_start3A_102 = tpu.memref_squeeze %dma_start3A_101 : memref<1x2x1024xf32, #tpu.memory_space<hbm>> -> memref<2x1024xf32, #tpu.memory_space<hbm>>
      tpu.enqueue_dma source(%dma_start3A_102 : memref<2x1024xf32, #tpu.memory_space<hbm>>) target(%dma_start3A_98 : memref<2x1024xf32, #tpu.memory_space<vmem>>) target_semaphore(%arg7 : memref<!tpu.dma_semaphore, #tpu.memory_space<semaphore_mem>>)
      %dma_wait3A = arith.constant 11 : i32
      %dma_wait3A_103 = arith.constant 0 : i32
      %dma_wait3A_104 = arith.constant 0 : i32
      %dma_wait3A_105 = tpu.memref_slice %arg4[%dma_wait3A_103, %dma_wait3A_104] : memref<32x1024xf32, #tpu.memory_space<vmem>> -> memref<2x1024xf32, #tpu.memory_space<vmem>>
      %dma_wait3A_106 = arith.constant 2048 : i32
      %dma_wait3A_107 = arith.constant 0 : i32
      %dma_wait3A_108 = tpu.memref_slice %arg2[%dma_wait3A, %dma_wait3A_106, %dma_wait3A_107] : memref<12x2050x1024xf32, #tpu.memory_space<hbm>> -> memref<1x2x1024xf32, #tpu.memory_space<hbm>>
      %dma_wait3A_109 = tpu.memref_squeeze %dma_wait3A_108 : memref<1x2x1024xf32, #tpu.memory_space<hbm>> -> memref<2x1024xf32, #tpu.memory_space<hbm>>
      %dma_wait3A_110 = arith.constant 0 : i32
      %dma_wait3A_111 = arith.constant 0 : i32
      %dma_wait3A_112 = tpu.memref_slice %arg4[%dma_wait3A_110, %dma_wait3A_111] : memref<32x1024xf32, #tpu.memory_space<vmem>> -> memref<2x1024xf32, #tpu.memory_space<vmem>>
      %dma_wait3A_113 = arith.constant 2048 : i32
      %dma_wait3A_114 = arith.constant 0 : i32
      %dma_wait3A_115 = tpu.memref_slice %arg2[%dma_wait3A, %dma_wait3A_113, %dma_wait3A_114] : memref<12x2050x1024xf32, #tpu.memory_space<hbm>> -> memref<1x2x1024xf32, #tpu.memory_space<hbm>>
      %dma_wait3A_116 = tpu.memref_squeeze %dma_wait3A_115 : memref<1x2x1024xf32, #tpu.memory_space<hbm>> -> memref<2x1024xf32, #tpu.memory_space<hbm>>
      tpu.wait_dma2 semaphore(%arg7 : memref<!tpu.dma_semaphore, #tpu.memory_space<semaphore_mem>>) src(%dma_wait3A_116 : memref<2x1024xf32, #tpu.memory_space<hbm>>) dst(%dma_wait3A_112 : memref<2x1024xf32, #tpu.memory_space<vmem>>)
      %dma_start3A_117 = arith.constant 11 : i32
      %dma_start3A_118 = arith.constant 0 : i32
      %dma_start3A_119 = arith.constant 0 : i32
      %dma_start3A_120 = tpu.memref_slice %arg4[%dma_start3A_118, %dma_start3A_119] : memref<32x1024xf32, #tpu.memory_space<vmem>> -> memref<2x1024xf32, #tpu.memory_space<vmem>>
      %dma_start3A_121 = arith.constant 2048 : i32
      %dma_start3A_122 = arith.constant 0 : i32
      %dma_start3A_123 = tpu.memref_slice %arg3[%dma_start3A_117, %dma_start3A_121, %dma_start3A_122] : memref<12x2050x1024xf32, #tpu.memory_space<hbm>> -> memref<1x2x1024xf32, #tpu.memory_space<hbm>>
      %dma_start3A_124 = tpu.memref_squeeze %dma_start3A_123 : memref<1x2x1024xf32, #tpu.memory_space<hbm>> -> memref<2x1024xf32, #tpu.memory_space<hbm>>
      %dma_start3A_125 = arith.constant 2048 : i32
      %dma_start3A_126 = arith.constant 0 : i32
      %dma_start3A_127 = tpu.memref_slice %arg3[%dma_start3A_117, %dma_start3A_125, %dma_start3A_126] : memref<12x2050x1024xf32, #tpu.memory_space<hbm>> -> memref<1x2x1024xf32, #tpu.memory_space<hbm>>
      %dma_start3A_128 = tpu.memref_squeeze %dma_start3A_127 : memref<1x2x1024xf32, #tpu.memory_space<hbm>> -> memref<2x1024xf32, #tpu.memory_space<hbm>>
      %dma_start3A_129 = arith.constant 0 : i32
      %dma_start3A_130 = arith.constant 0 : i32
      %dma_start3A_131 = tpu.memref_slice %arg4[%dma_start3A_129, %dma_start3A_130] : memref<32x1024xf32, #tpu.memory_space<vmem>> -> memref<2x1024xf32, #tpu.memory_space<vmem>>
      tpu.enqueue_dma source(%dma_start3A_131 : memref<2x1024xf32, #tpu.memory_space<vmem>>) target(%dma_start3A_128 : memref<2x1024xf32, #tpu.memory_space<hbm>>) target_semaphore(%arg10 : memref<!tpu.dma_semaphore, #tpu.memory_space<semaphore_mem>>)
      %dma_wait3A_132 = arith.constant 11 : i32
      %dma_wait3A_133 = arith.constant 0 : i32
      %dma_wait3A_134 = arith.constant 0 : i32
      %dma_wait3A_135 = tpu.memref_slice %arg4[%dma_wait3A_133, %dma_wait3A_134] : memref<32x1024xf32, #tpu.memory_space<vmem>> -> memref<2x1024xf32, #tpu.memory_space<vmem>>
      %dma_wait3A_136 = arith.constant 2048 : i32
      %dma_wait3A_137 = arith.constant 0 : i32
      %dma_wait3A_138 = tpu.memref_slice %arg3[%dma_wait3A_132, %dma_wait3A_136, %dma_wait3A_137] : memref<12x2050x1024xf32, #tpu.memory_space<hbm>> -> memref<1x2x1024xf32, #tpu.memory_space<hbm>>
      %dma_wait3A_139 = tpu.memref_squeeze %dma_wait3A_138 : memref<1x2x1024xf32, #tpu.memory_space<hbm>> -> memref<2x1024xf32, #tpu.memory_space<hbm>>
      %dma_wait3A_140 = arith.constant 2048 : i32
      %dma_wait3A_141 = arith.constant 0 : i32
      %dma_wait3A_142 = tpu.memref_slice %arg3[%dma_wait3A_132, %dma_wait3A_140, %dma_wait3A_141] : memref<12x2050x1024xf32, #tpu.memory_space<hbm>> -> memref<1x2x1024xf32, #tpu.memory_space<hbm>>
      %dma_wait3A_143 = tpu.memref_squeeze %dma_wait3A_142 : memref<1x2x1024xf32, #tpu.memory_space<hbm>> -> memref<2x1024xf32, #tpu.memory_space<hbm>>
      %dma_wait3A_144 = arith.constant 0 : i32
      %dma_wait3A_145 = arith.constant 0 : i32
      %dma_wait3A_146 = tpu.memref_slice %arg4[%dma_wait3A_144, %dma_wait3A_145] : memref<32x1024xf32, #tpu.memory_space<vmem>> -> memref<2x1024xf32, #tpu.memory_space<vmem>>
      tpu.wait_dma2 semaphore(%arg10 : memref<!tpu.dma_semaphore, #tpu.memory_space<semaphore_mem>>) src(%dma_wait3A_146 : memref<2x1024xf32, #tpu.memory_space<vmem>>) dst(%dma_wait3A_143 : memref<2x1024xf32, #tpu.memory_space<hbm>>)
    } else {
    }
    %add3A_58 = arith.constant 0 : i32
    %add3A_59 = arith.addi %add3A, %add3A_58 : i32
    %lt3A = arith.constant 768 : i32
    %lt3A_60 = arith.cmpi slt, %add3A_59, %lt3A : i32
    %convert_element_type3A_61 = arith.extui %lt3A_60 : i1 to i32
    %cond3A_62 = arith.constant 0 : i32
    %cond3A_63 = arith.cmpi ne, %convert_element_type3A_61, %cond3A_62 : i32
    scf.if %cond3A_63 {
      %jit3A = arith.constant 64 : i32
      %div3A = arith.divsi %add3A_59, %jit3A : i32
      %sign3A = arith.constant 0 : i32
      %sign3A_89 = arith.cmpi sgt, %add3A_59, %sign3A : i32
      %sign3A_90 = arith.extui %sign3A_89 : i1 to i32
      %sign3A_91 = arith.constant 0 : i32
      %sign3A_92 = arith.cmpi slt, %add3A_59, %sign3A_91 : i32
      %sign3A_93 = arith.extui %sign3A_92 : i1 to i32
      %sign3A_94 = arith.subi %sign3A_90, %sign3A_93 : i32
      %sign3A_95 = arith.constant 0 : i32
      %sign3A_96 = arith.cmpi sgt, %jit3A, %sign3A_95 : i32
      %sign3A_97 = arith.extui %sign3A_96 : i1 to i32
      %sign3A_98 = arith.constant 0 : i32
      %sign3A_99 = arith.cmpi slt, %jit3A, %sign3A_98 : i32
      %sign3A_100 = arith.extui %sign3A_99 : i1 to i32
      %sign3A_101 = arith.subi %sign3A_97, %sign3A_100 : i32
      %ne3A = arith.cmpi ne, %sign3A_94, %sign3A_101 : i32
      %rem3A = arith.remsi %add3A_59, %jit3A : i32
      %ne3A_102 = arith.constant 0 : i32
      %ne3A_103 = arith.cmpi ne, %rem3A, %ne3A_102 : i32
      %and3A = arith.andi %ne3A, %ne3A_103 : i1
      %sub3A = arith.constant 1 : i32
      %sub3A_104 = arith.subi %div3A, %sub3A : i32
      %select_n3A = arith.select %and3A, %sub3A_104, %div3A : i32
      %jit3A_105 = arith.constant 64 : i32
      %eq3A_106 = arith.constant 0 : i32
      %eq3A_107 = arith.cmpi eq, %jit3A_105, %eq3A_106 : i32
      %jit3A_108 = arith.constant 1 : i32
      %select_n3A_109 = arith.select %eq3A_107, %jit3A_108, %jit3A_105 : i32
      %rem3A_110 = arith.remsi %add3A_59, %select_n3A_109 : i32
      %ne3A_111 = arith.constant 0 : i32
      %ne3A_112 = arith.cmpi ne, %rem3A_110, %ne3A_111 : i32
      %lt3A_113 = arith.constant 0 : i32
      %lt3A_114 = arith.cmpi slt, %rem3A_110, %lt3A_113 : i32
      %lt3A_115 = arith.constant 0 : i32
      %lt3A_116 = arith.cmpi slt, %select_n3A_109, %lt3A_115 : i32
      %ne3A_117 = arith.xori %lt3A_114, %lt3A_116 : i1
      %and3A_118 = arith.andi %ne3A_117, %ne3A_112 : i1
      %add3A_119 = arith.addi %rem3A_110, %select_n3A_109 : i32
      %select_n3A_120 = arith.select %and3A_118, %add3A_119, %rem3A_110 : i32
      %mul3A_121 = arith.constant 32 : i32
      %mul3A_122 = arith.muli %select_n3A_120, %mul3A_121 : i32
      %dma_start3A = arith.constant 0 : i32
      %dma_start3A_123 = tpu.memref_slice %arg2[%select_n3A, %mul3A_122, %dma_start3A] : memref<12x2050x1024xf32, #tpu.memory_space<hbm>> -> memref<1x32x1024xf32, #tpu.memory_space<hbm>>
      %dma_start3A_124 = tpu.memref_squeeze %dma_start3A_123 : memref<1x32x1024xf32, #tpu.memory_space<hbm>> -> memref<32x1024xf32, #tpu.memory_space<hbm>>
      %dma_start3A_125 = arith.constant 0 : i32
      %dma_start3A_126 = tpu.memref_slice %arg2[%select_n3A, %mul3A_122, %dma_start3A_125] : memref<12x2050x1024xf32, #tpu.memory_space<hbm>> -> memref<1x32x1024xf32, #tpu.memory_space<hbm>>
      %dma_start3A_127 = tpu.memref_squeeze %dma_start3A_126 : memref<1x32x1024xf32, #tpu.memory_space<hbm>> -> memref<32x1024xf32, #tpu.memory_space<hbm>>
      tpu.enqueue_dma source(%dma_start3A_127 : memref<32x1024xf32, #tpu.memory_space<hbm>>) target(%arg4 : memref<32x1024xf32, #tpu.memory_space<vmem>>) target_semaphore(%arg7 : memref<!tpu.dma_semaphore, #tpu.memory_space<semaphore_mem>>)
    } else {
    }
    %add3A_64 = arith.constant 32 : i32
    %add3A_65 = arith.addi %add3A, %add3A_64 : i32
    %lt3A_66 = arith.constant 768 : i32
    %lt3A_67 = arith.cmpi slt, %add3A_65, %lt3A_66 : i32
    %convert_element_type3A_68 = arith.extui %lt3A_67 : i1 to i32
    %cond3A_69 = arith.constant 0 : i32
    %cond3A_70 = arith.cmpi ne, %convert_element_type3A_68, %cond3A_69 : i32
    scf.if %cond3A_70 {
      %jit3A = arith.constant 64 : i32
      %div3A = arith.divsi %add3A_65, %jit3A : i32
      %sign3A = arith.constant 0 : i32
      %sign3A_89 = arith.cmpi sgt, %add3A_65, %sign3A : i32
      %sign3A_90 = arith.extui %sign3A_89 : i1 to i32
      %sign3A_91 = arith.constant 0 : i32
      %sign3A_92 = arith.cmpi slt, %add3A_65, %sign3A_91 : i32
      %sign3A_93 = arith.extui %sign3A_92 : i1 to i32
      %sign3A_94 = arith.subi %sign3A_90, %sign3A_93 : i32
      %sign3A_95 = arith.constant 0 : i32
      %sign3A_96 = arith.cmpi sgt, %jit3A, %sign3A_95 : i32
      %sign3A_97 = arith.extui %sign3A_96 : i1 to i32
      %sign3A_98 = arith.constant 0 : i32
      %sign3A_99 = arith.cmpi slt, %jit3A, %sign3A_98 : i32
      %sign3A_100 = arith.extui %sign3A_99 : i1 to i32
      %sign3A_101 = arith.subi %sign3A_97, %sign3A_100 : i32
      %ne3A = arith.cmpi ne, %sign3A_94, %sign3A_101 : i32
      %rem3A = arith.remsi %add3A_65, %jit3A : i32
      %ne3A_102 = arith.constant 0 : i32
      %ne3A_103 = arith.cmpi ne, %rem3A, %ne3A_102 : i32
      %and3A = arith.andi %ne3A, %ne3A_103 : i1
      %sub3A = arith.constant 1 : i32
      %sub3A_104 = arith.subi %div3A, %sub3A : i32
      %select_n3A = arith.select %and3A, %sub3A_104, %div3A : i32
      %jit3A_105 = arith.constant 64 : i32
      %eq3A_106 = arith.constant 0 : i32
      %eq3A_107 = arith.cmpi eq, %jit3A_105, %eq3A_106 : i32
      %jit3A_108 = arith.constant 1 : i32
      %select_n3A_109 = arith.select %eq3A_107, %jit3A_108, %jit3A_105 : i32
      %rem3A_110 = arith.remsi %add3A_65, %select_n3A_109 : i32
      %ne3A_111 = arith.constant 0 : i32
      %ne3A_112 = arith.cmpi ne, %rem3A_110, %ne3A_111 : i32
      %lt3A_113 = arith.constant 0 : i32
      %lt3A_114 = arith.cmpi slt, %rem3A_110, %lt3A_113 : i32
      %lt3A_115 = arith.constant 0 : i32
      %lt3A_116 = arith.cmpi slt, %select_n3A_109, %lt3A_115 : i32
      %ne3A_117 = arith.xori %lt3A_114, %lt3A_116 : i1
      %and3A_118 = arith.andi %ne3A_117, %ne3A_112 : i1
      %add3A_119 = arith.addi %rem3A_110, %select_n3A_109 : i32
      %select_n3A_120 = arith.select %and3A_118, %add3A_119, %rem3A_110 : i32
      %mul3A_121 = arith.constant 32 : i32
      %mul3A_122 = arith.muli %select_n3A_120, %mul3A_121 : i32
      %dma_start3A = arith.constant 0 : i32
      %dma_start3A_123 = tpu.memref_slice %arg2[%select_n3A, %mul3A_122, %dma_start3A] : memref<12x2050x1024xf32, #tpu.memory_space<hbm>> -> memref<1x32x1024xf32, #tpu.memory_space<hbm>>
      %dma_start3A_124 = tpu.memref_squeeze %dma_start3A_123 : memref<1x32x1024xf32, #tpu.memory_space<hbm>> -> memref<32x1024xf32, #tpu.memory_space<hbm>>
      %dma_start3A_125 = arith.constant 0 : i32
      %dma_start3A_126 = tpu.memref_slice %arg2[%select_n3A, %mul3A_122, %dma_start3A_125] : memref<12x2050x1024xf32, #tpu.memory_space<hbm>> -> memref<1x32x1024xf32, #tpu.memory_space<hbm>>
      %dma_start3A_127 = tpu.memref_squeeze %dma_start3A_126 : memref<1x32x1024xf32, #tpu.memory_space<hbm>> -> memref<32x1024xf32, #tpu.memory_space<hbm>>
      tpu.enqueue_dma source(%dma_start3A_127 : memref<32x1024xf32, #tpu.memory_space<hbm>>) target(%arg5 : memref<32x1024xf32, #tpu.memory_space<vmem>>) target_semaphore(%arg8 : memref<!tpu.dma_semaphore, #tpu.memory_space<semaphore_mem>>)
    } else {
    }
    %add3A_71 = arith.constant 64 : i32
    %add3A_72 = arith.addi %add3A, %add3A_71 : i32
    %lt3A_73 = arith.constant 768 : i32
    %lt3A_74 = arith.cmpi slt, %add3A_72, %lt3A_73 : i32
    %convert_element_type3A_75 = arith.extui %lt3A_74 : i1 to i32
    %cond3A_76 = arith.constant 0 : i32
    %cond3A_77 = arith.cmpi ne, %convert_element_type3A_75, %cond3A_76 : i32
    scf.if %cond3A_77 {
      %jit3A = arith.constant 64 : i32
      %div3A = arith.divsi %add3A_72, %jit3A : i32
      %sign3A = arith.constant 0 : i32
      %sign3A_89 = arith.cmpi sgt, %add3A_72, %sign3A : i32
      %sign3A_90 = arith.extui %sign3A_89 : i1 to i32
      %sign3A_91 = arith.constant 0 : i32
      %sign3A_92 = arith.cmpi slt, %add3A_72, %sign3A_91 : i32
      %sign3A_93 = arith.extui %sign3A_92 : i1 to i32
      %sign3A_94 = arith.subi %sign3A_90, %sign3A_93 : i32
      %sign3A_95 = arith.constant 0 : i32
      %sign3A_96 = arith.cmpi sgt, %jit3A, %sign3A_95 : i32
      %sign3A_97 = arith.extui %sign3A_96 : i1 to i32
      %sign3A_98 = arith.constant 0 : i32
      %sign3A_99 = arith.cmpi slt, %jit3A, %sign3A_98 : i32
      %sign3A_100 = arith.extui %sign3A_99 : i1 to i32
      %sign3A_101 = arith.subi %sign3A_97, %sign3A_100 : i32
      %ne3A = arith.cmpi ne, %sign3A_94, %sign3A_101 : i32
      %rem3A = arith.remsi %add3A_72, %jit3A : i32
      %ne3A_102 = arith.constant 0 : i32
      %ne3A_103 = arith.cmpi ne, %rem3A, %ne3A_102 : i32
      %and3A = arith.andi %ne3A, %ne3A_103 : i1
      %sub3A = arith.constant 1 : i32
      %sub3A_104 = arith.subi %div3A, %sub3A : i32
      %select_n3A = arith.select %and3A, %sub3A_104, %div3A : i32
      %jit3A_105 = arith.constant 64 : i32
      %eq3A_106 = arith.constant 0 : i32
      %eq3A_107 = arith.cmpi eq, %jit3A_105, %eq3A_106 : i32
      %jit3A_108 = arith.constant 1 : i32
      %select_n3A_109 = arith.select %eq3A_107, %jit3A_108, %jit3A_105 : i32
      %rem3A_110 = arith.remsi %add3A_72, %select_n3A_109 : i32
      %ne3A_111 = arith.constant 0 : i32
      %ne3A_112 = arith.cmpi ne, %rem3A_110, %ne3A_111 : i32
      %lt3A_113 = arith.constant 0 : i32
      %lt3A_114 = arith.cmpi slt, %rem3A_110, %lt3A_113 : i32
      %lt3A_115 = arith.constant 0 : i32
      %lt3A_116 = arith.cmpi slt, %select_n3A_109, %lt3A_115 : i32
      %ne3A_117 = arith.xori %lt3A_114, %lt3A_116 : i1
      %and3A_118 = arith.andi %ne3A_117, %ne3A_112 : i1
      %add3A_119 = arith.addi %rem3A_110, %select_n3A_109 : i32
      %select_n3A_120 = arith.select %and3A_118, %add3A_119, %rem3A_110 : i32
      %mul3A_121 = arith.constant 32 : i32
      %mul3A_122 = arith.muli %select_n3A_120, %mul3A_121 : i32
      %dma_start3A = arith.constant 0 : i32
      %dma_start3A_123 = tpu.memref_slice %arg2[%select_n3A, %mul3A_122, %dma_start3A] : memref<12x2050x1024xf32, #tpu.memory_space<hbm>> -> memref<1x32x1024xf32, #tpu.memory_space<hbm>>
      %dma_start3A_124 = tpu.memref_squeeze %dma_start3A_123 : memref<1x32x1024xf32, #tpu.memory_space<hbm>> -> memref<32x1024xf32, #tpu.memory_space<hbm>>
      %dma_start3A_125 = arith.constant 0 : i32
      %dma_start3A_126 = tpu.memref_slice %arg2[%select_n3A, %mul3A_122, %dma_start3A_125] : memref<12x2050x1024xf32, #tpu.memory_space<hbm>> -> memref<1x32x1024xf32, #tpu.memory_space<hbm>>
      %dma_start3A_127 = tpu.memref_squeeze %dma_start3A_126 : memref<1x32x1024xf32, #tpu.memory_space<hbm>> -> memref<32x1024xf32, #tpu.memory_space<hbm>>
      tpu.enqueue_dma source(%dma_start3A_127 : memref<32x1024xf32, #tpu.memory_space<hbm>>) target(%arg6 : memref<32x1024xf32, #tpu.memory_space<vmem>>) target_semaphore(%arg9 : memref<!tpu.dma_semaphore, #tpu.memory_space<semaphore_mem>>)
    } else {
    }
    %scan3A = arith.constant 0 : i32
    %scan3A_78 = arith.constant 8 : i32
    %scan3A_79 = arith.addi %scan3A, %scan3A_78 : i32
    %scan3A_80 = arith.constant 1 : i32
    scf.for %scan3A_89 = %scan3A to %scan3A_79 step %scan3A_80  : i32 {
      %mul3A_90 = arith.constant 3 : i32
      %mul3A_91 = arith.muli %scan3A_89, %mul3A_90 : i32
      %add3A_92 = arith.constant 0 : i32
      %add3A_93 = arith.addi %add3A_92, %mul3A_91 : i32
      %add3A_94 = arith.constant 0 : i32
      %add3A_95 = arith.addi %add3A_93, %add3A_94 : i32
      %mul3A_96 = arith.constant 32 : i32
      %mul3A_97 = arith.muli %add3A_95, %mul3A_96 : i32
      %add3A_98 = arith.addi %add3A, %mul3A_97 : i32
      %lt3A_99 = arith.constant 768 : i32
      %lt3A_100 = arith.cmpi slt, %add3A_98, %lt3A_99 : i32
      %convert_element_type3A_101 = arith.extui %lt3A_100 : i1 to i32
      %cond3A_102 = arith.constant 0 : i32
      %cond3A_103 = arith.cmpi ne, %convert_element_type3A_101, %cond3A_102 : i32
      scf.if %cond3A_103 {
        %jit3A = arith.constant 64 : i32
        %div3A = arith.divsi %add3A_98, %jit3A : i32
        %sign3A = arith.constant 0 : i32
        %sign3A_160 = arith.cmpi sgt, %add3A_98, %sign3A : i32
        %sign3A_161 = arith.extui %sign3A_160 : i1 to i32
        %sign3A_162 = arith.constant 0 : i32
        %sign3A_163 = arith.cmpi slt, %add3A_98, %sign3A_162 : i32
        %sign3A_164 = arith.extui %sign3A_163 : i1 to i32
        %sign3A_165 = arith.subi %sign3A_161, %sign3A_164 : i32
        %sign3A_166 = arith.constant 0 : i32
        %sign3A_167 = arith.cmpi sgt, %jit3A, %sign3A_166 : i32
        %sign3A_168 = arith.extui %sign3A_167 : i1 to i32
        %sign3A_169 = arith.constant 0 : i32
        %sign3A_170 = arith.cmpi slt, %jit3A, %sign3A_169 : i32
        %sign3A_171 = arith.extui %sign3A_170 : i1 to i32
        %sign3A_172 = arith.subi %sign3A_168, %sign3A_171 : i32
        %ne3A = arith.cmpi ne, %sign3A_165, %sign3A_172 : i32
        %rem3A = arith.remsi %add3A_98, %jit3A : i32
        %ne3A_173 = arith.constant 0 : i32
        %ne3A_174 = arith.cmpi ne, %rem3A, %ne3A_173 : i32
        %and3A_175 = arith.andi %ne3A, %ne3A_174 : i1
        %sub3A_176 = arith.constant 1 : i32
        %sub3A_177 = arith.subi %div3A, %sub3A_176 : i32
        %select_n3A = arith.select %and3A_175, %sub3A_177, %div3A : i32
        %jit3A_178 = arith.constant 64 : i32
        %eq3A_179 = arith.constant 0 : i32
        %eq3A_180 = arith.cmpi eq, %jit3A_178, %eq3A_179 : i32
        %jit3A_181 = arith.constant 1 : i32
        %select_n3A_182 = arith.select %eq3A_180, %jit3A_181, %jit3A_178 : i32
        %rem3A_183 = arith.remsi %add3A_98, %select_n3A_182 : i32
        %ne3A_184 = arith.constant 0 : i32
        %ne3A_185 = arith.cmpi ne, %rem3A_183, %ne3A_184 : i32
        %lt3A_186 = arith.constant 0 : i32
        %lt3A_187 = arith.cmpi slt, %rem3A_183, %lt3A_186 : i32
        %lt3A_188 = arith.constant 0 : i32
        %lt3A_189 = arith.cmpi slt, %select_n3A_182, %lt3A_188 : i32
        %ne3A_190 = arith.xori %lt3A_187, %lt3A_189 : i1
        %and3A_191 = arith.andi %ne3A_190, %ne3A_185 : i1
        %add3A_192 = arith.addi %rem3A_183, %select_n3A_182 : i32
        %select_n3A_193 = arith.select %and3A_191, %add3A_192, %rem3A_183 : i32
        %mul3A_194 = arith.constant 32 : i32
        %mul3A_195 = arith.muli %select_n3A_193, %mul3A_194 : i32
        %dma_wait3A = arith.constant 0 : i32
        %dma_wait3A_196 = tpu.memref_slice %arg2[%select_n3A, %mul3A_195, %dma_wait3A] : memref<12x2050x1024xf32, #tpu.memory_space<hbm>> -> memref<1x32x1024xf32, #tpu.memory_space<hbm>>
        %dma_wait3A_197 = tpu.memref_squeeze %dma_wait3A_196 : memref<1x32x1024xf32, #tpu.memory_space<hbm>> -> memref<32x1024xf32, #tpu.memory_space<hbm>>
        %dma_wait3A_198 = arith.constant 0 : i32
        %dma_wait3A_199 = tpu.memref_slice %arg2[%select_n3A, %mul3A_195, %dma_wait3A_198] : memref<12x2050x1024xf32, #tpu.memory_space<hbm>> -> memref<1x32x1024xf32, #tpu.memory_space<hbm>>
        %dma_wait3A_200 = tpu.memref_squeeze %dma_wait3A_199 : memref<1x32x1024xf32, #tpu.memory_space<hbm>> -> memref<32x1024xf32, #tpu.memory_space<hbm>>
        tpu.wait_dma2 semaphore(%arg7 : memref<!tpu.dma_semaphore, #tpu.memory_space<semaphore_mem>>) src(%dma_wait3A_200 : memref<32x1024xf32, #tpu.memory_space<hbm>>) dst(%arg4 : memref<32x1024xf32, #tpu.memory_space<vmem>>)
        %dma_start3A = arith.constant 0 : i32
        %dma_start3A_201 = tpu.memref_slice %arg3[%select_n3A, %mul3A_195, %dma_start3A] : memref<12x2050x1024xf32, #tpu.memory_space<hbm>> -> memref<1x32x1024xf32, #tpu.memory_space<hbm>>
        %dma_start3A_202 = tpu.memref_squeeze %dma_start3A_201 : memref<1x32x1024xf32, #tpu.memory_space<hbm>> -> memref<32x1024xf32, #tpu.memory_space<hbm>>
        %dma_start3A_203 = arith.constant 0 : i32
        %dma_start3A_204 = tpu.memref_slice %arg3[%select_n3A, %mul3A_195, %dma_start3A_203] : memref<12x2050x1024xf32, #tpu.memory_space<hbm>> -> memref<1x32x1024xf32, #tpu.memory_space<hbm>>
        %dma_start3A_205 = tpu.memref_squeeze %dma_start3A_204 : memref<1x32x1024xf32, #tpu.memory_space<hbm>> -> memref<32x1024xf32, #tpu.memory_space<hbm>>
        tpu.enqueue_dma source(%arg4 : memref<32x1024xf32, #tpu.memory_space<vmem>>) target(%dma_start3A_205 : memref<32x1024xf32, #tpu.memory_space<hbm>>) target_semaphore(%arg10 : memref<!tpu.dma_semaphore, #tpu.memory_space<semaphore_mem>>)
      } else {
      }
      %sub3A = arith.constant 1 : i32
      %sub3A_104 = arith.subi %add3A_95, %sub3A : i32
      %mul3A_105 = arith.constant 32 : i32
      %mul3A_106 = arith.muli %sub3A_104, %mul3A_105 : i32
      %add3A_107 = arith.addi %add3A, %mul3A_106 : i32
      %ge3A = arith.constant 0 : i32
      %ge3A_108 = arith.cmpi sge, %sub3A_104, %ge3A : i32
      %lt3A_109 = arith.constant 768 : i32
      %lt3A_110 = arith.cmpi slt, %add3A_107, %lt3A_109 : i32
      %and3A = arith.andi %ge3A_108, %lt3A_110 : i1
      %convert_element_type3A_111 = arith.extui %and3A : i1 to i32
      %cond3A_112 = arith.constant 0 : i32
      %cond3A_113 = arith.cmpi ne, %convert_element_type3A_111, %cond3A_112 : i32
      scf.if %cond3A_113 {
        %jit3A = arith.constant 64 : i32
        %div3A = arith.divsi %add3A_107, %jit3A : i32
        %sign3A = arith.constant 0 : i32
        %sign3A_160 = arith.cmpi sgt, %add3A_107, %sign3A : i32
        %sign3A_161 = arith.extui %sign3A_160 : i1 to i32
        %sign3A_162 = arith.constant 0 : i32
        %sign3A_163 = arith.cmpi slt, %add3A_107, %sign3A_162 : i32
        %sign3A_164 = arith.extui %sign3A_163 : i1 to i32
        %sign3A_165 = arith.subi %sign3A_161, %sign3A_164 : i32
        %sign3A_166 = arith.constant 0 : i32
        %sign3A_167 = arith.cmpi sgt, %jit3A, %sign3A_166 : i32
        %sign3A_168 = arith.extui %sign3A_167 : i1 to i32
        %sign3A_169 = arith.constant 0 : i32
        %sign3A_170 = arith.cmpi slt, %jit3A, %sign3A_169 : i32
        %sign3A_171 = arith.extui %sign3A_170 : i1 to i32
        %sign3A_172 = arith.subi %sign3A_168, %sign3A_171 : i32
        %ne3A = arith.cmpi ne, %sign3A_165, %sign3A_172 : i32
        %rem3A = arith.remsi %add3A_107, %jit3A : i32
        %ne3A_173 = arith.constant 0 : i32
        %ne3A_174 = arith.cmpi ne, %rem3A, %ne3A_173 : i32
        %and3A_175 = arith.andi %ne3A, %ne3A_174 : i1
        %sub3A_176 = arith.constant 1 : i32
        %sub3A_177 = arith.subi %div3A, %sub3A_176 : i32
        %select_n3A = arith.select %and3A_175, %sub3A_177, %div3A : i32
        %jit3A_178 = arith.constant 64 : i32
        %eq3A_179 = arith.constant 0 : i32
        %eq3A_180 = arith.cmpi eq, %jit3A_178, %eq3A_179 : i32
        %jit3A_181 = arith.constant 1 : i32
        %select_n3A_182 = arith.select %eq3A_180, %jit3A_181, %jit3A_178 : i32
        %rem3A_183 = arith.remsi %add3A_107, %select_n3A_182 : i32
        %ne3A_184 = arith.constant 0 : i32
        %ne3A_185 = arith.cmpi ne, %rem3A_183, %ne3A_184 : i32
        %lt3A_186 = arith.constant 0 : i32
        %lt3A_187 = arith.cmpi slt, %rem3A_183, %lt3A_186 : i32
        %lt3A_188 = arith.constant 0 : i32
        %lt3A_189 = arith.cmpi slt, %select_n3A_182, %lt3A_188 : i32
        %ne3A_190 = arith.xori %lt3A_187, %lt3A_189 : i1
        %and3A_191 = arith.andi %ne3A_190, %ne3A_185 : i1
        %add3A_192 = arith.addi %rem3A_183, %select_n3A_182 : i32
        %select_n3A_193 = arith.select %and3A_191, %add3A_192, %rem3A_183 : i32
        %mul3A_194 = arith.constant 32 : i32
        %mul3A_195 = arith.muli %select_n3A_193, %mul3A_194 : i32
        %dma_wait3A = arith.constant 0 : i32
        %dma_wait3A_196 = tpu.memref_slice %arg3[%select_n3A, %mul3A_195, %dma_wait3A] : memref<12x2050x1024xf32, #tpu.memory_space<hbm>> -> memref<1x32x1024xf32, #tpu.memory_space<hbm>>
        %dma_wait3A_197 = tpu.memref_squeeze %dma_wait3A_196 : memref<1x32x1024xf32, #tpu.memory_space<hbm>> -> memref<32x1024xf32, #tpu.memory_space<hbm>>
        %dma_wait3A_198 = arith.constant 0 : i32
        %dma_wait3A_199 = tpu.memref_slice %arg3[%select_n3A, %mul3A_195, %dma_wait3A_198] : memref<12x2050x1024xf32, #tpu.memory_space<hbm>> -> memref<1x32x1024xf32, #tpu.memory_space<hbm>>
        %dma_wait3A_200 = tpu.memref_squeeze %dma_wait3A_199 : memref<1x32x1024xf32, #tpu.memory_space<hbm>> -> memref<32x1024xf32, #tpu.memory_space<hbm>>
        tpu.wait_dma2 semaphore(%arg12 : memref<!tpu.dma_semaphore, #tpu.memory_space<semaphore_mem>>) src(%arg6 : memref<32x1024xf32, #tpu.memory_space<vmem>>) dst(%dma_wait3A_200 : memref<32x1024xf32, #tpu.memory_space<hbm>>)
        %add3A_201 = arith.constant 3 : i32
        %add3A_202 = arith.addi %sub3A_104, %add3A_201 : i32
        %mul3A_203 = arith.constant 32 : i32
        %mul3A_204 = arith.muli %add3A_202, %mul3A_203 : i32
        %add3A_205 = arith.addi %add3A, %mul3A_204 : i32
        %lt3A_206 = arith.constant 768 : i32
        %lt3A_207 = arith.cmpi slt, %add3A_205, %lt3A_206 : i32
        %convert_element_type3A_208 = arith.extui %lt3A_207 : i1 to i32
        %cond3A_209 = arith.constant 0 : i32
        %cond3A_210 = arith.cmpi ne, %convert_element_type3A_208, %cond3A_209 : i32
        scf.if %cond3A_210 {
          %jit3A_211 = arith.constant 64 : i32
          %div3A_212 = arith.divsi %add3A_205, %jit3A_211 : i32
          %sign3A_213 = arith.constant 0 : i32
          %sign3A_214 = arith.cmpi sgt, %add3A_205, %sign3A_213 : i32
          %sign3A_215 = arith.extui %sign3A_214 : i1 to i32
          %sign3A_216 = arith.constant 0 : i32
          %sign3A_217 = arith.cmpi slt, %add3A_205, %sign3A_216 : i32
          %sign3A_218 = arith.extui %sign3A_217 : i1 to i32
          %sign3A_219 = arith.subi %sign3A_215, %sign3A_218 : i32
          %sign3A_220 = arith.constant 0 : i32
          %sign3A_221 = arith.cmpi sgt, %jit3A_211, %sign3A_220 : i32
          %sign3A_222 = arith.extui %sign3A_221 : i1 to i32
          %sign3A_223 = arith.constant 0 : i32
          %sign3A_224 = arith.cmpi slt, %jit3A_211, %sign3A_223 : i32
          %sign3A_225 = arith.extui %sign3A_224 : i1 to i32
          %sign3A_226 = arith.subi %sign3A_222, %sign3A_225 : i32
          %ne3A_227 = arith.cmpi ne, %sign3A_219, %sign3A_226 : i32
          %rem3A_228 = arith.remsi %add3A_205, %jit3A_211 : i32
          %ne3A_229 = arith.constant 0 : i32
          %ne3A_230 = arith.cmpi ne, %rem3A_228, %ne3A_229 : i32
          %and3A_231 = arith.andi %ne3A_227, %ne3A_230 : i1
          %sub3A_232 = arith.constant 1 : i32
          %sub3A_233 = arith.subi %div3A_212, %sub3A_232 : i32
          %select_n3A_234 = arith.select %and3A_231, %sub3A_233, %div3A_212 : i32
          %jit3A_235 = arith.constant 64 : i32
          %eq3A_236 = arith.constant 0 : i32
          %eq3A_237 = arith.cmpi eq, %jit3A_235, %eq3A_236 : i32
          %jit3A_238 = arith.constant 1 : i32
          %select_n3A_239 = arith.select %eq3A_237, %jit3A_238, %jit3A_235 : i32
          %rem3A_240 = arith.remsi %add3A_205, %select_n3A_239 : i32
          %ne3A_241 = arith.constant 0 : i32
          %ne3A_242 = arith.cmpi ne, %rem3A_240, %ne3A_241 : i32
          %lt3A_243 = arith.constant 0 : i32
          %lt3A_244 = arith.cmpi slt, %rem3A_240, %lt3A_243 : i32
          %lt3A_245 = arith.constant 0 : i32
          %lt3A_246 = arith.cmpi slt, %select_n3A_239, %lt3A_245 : i32
          %ne3A_247 = arith.xori %lt3A_244, %lt3A_246 : i1
          %and3A_248 = arith.andi %ne3A_247, %ne3A_242 : i1
          %add3A_249 = arith.addi %rem3A_240, %select_n3A_239 : i32
          %select_n3A_250 = arith.select %and3A_248, %add3A_249, %rem3A_240 : i32
          %mul3A_251 = arith.constant 32 : i32
          %mul3A_252 = arith.muli %select_n3A_250, %mul3A_251 : i32
          %dma_start3A = arith.constant 0 : i32
          %dma_start3A_253 = tpu.memref_slice %arg2[%select_n3A_234, %mul3A_252, %dma_start3A] : memref<12x2050x1024xf32, #tpu.memory_space<hbm>> -> memref<1x32x1024xf32, #tpu.memory_space<hbm>>
          %dma_start3A_254 = tpu.memref_squeeze %dma_start3A_253 : memref<1x32x1024xf32, #tpu.memory_space<hbm>> -> memref<32x1024xf32, #tpu.memory_space<hbm>>
          %dma_start3A_255 = arith.constant 0 : i32
          %dma_start3A_256 = tpu.memref_slice %arg2[%select_n3A_234, %mul3A_252, %dma_start3A_255] : memref<12x2050x1024xf32, #tpu.memory_space<hbm>> -> memref<1x32x1024xf32, #tpu.memory_space<hbm>>
          %dma_start3A_257 = tpu.memref_squeeze %dma_start3A_256 : memref<1x32x1024xf32, #tpu.memory_space<hbm>> -> memref<32x1024xf32, #tpu.memory_space<hbm>>
          tpu.enqueue_dma source(%dma_start3A_257 : memref<32x1024xf32, #tpu.memory_space<hbm>>) target(%arg6 : memref<32x1024xf32, #tpu.memory_space<vmem>>) target_semaphore(%arg9 : memref<!tpu.dma_semaphore, #tpu.memory_space<semaphore_mem>>)
        } else {
        }
      } else {
      }
      %add3A_114 = arith.constant 1 : i32
      %add3A_115 = arith.addi %add3A_93, %add3A_114 : i32
      %mul3A_116 = arith.constant 32 : i32
      %mul3A_117 = arith.muli %add3A_115, %mul3A_116 : i32
      %add3A_118 = arith.addi %add3A, %mul3A_117 : i32
      %lt3A_119 = arith.constant 768 : i32
      %lt3A_120 = arith.cmpi slt, %add3A_118, %lt3A_119 : i32
      %convert_element_type3A_121 = arith.extui %lt3A_120 : i1 to i32
      %cond3A_122 = arith.constant 0 : i32
      %cond3A_123 = arith.cmpi ne, %convert_element_type3A_121, %cond3A_122 : i32
      scf.if %cond3A_123 {
        %jit3A = arith.constant 64 : i32
        %div3A = arith.divsi %add3A_118, %jit3A : i32
        %sign3A = arith.constant 0 : i32
        %sign3A_160 = arith.cmpi sgt, %add3A_118, %sign3A : i32
        %sign3A_161 = arith.extui %sign3A_160 : i1 to i32
        %sign3A_162 = arith.constant 0 : i32
        %sign3A_163 = arith.cmpi slt, %add3A_118, %sign3A_162 : i32
        %sign3A_164 = arith.extui %sign3A_163 : i1 to i32
        %sign3A_165 = arith.subi %sign3A_161, %sign3A_164 : i32
        %sign3A_166 = arith.constant 0 : i32
        %sign3A_167 = arith.cmpi sgt, %jit3A, %sign3A_166 : i32
        %sign3A_168 = arith.extui %sign3A_167 : i1 to i32
        %sign3A_169 = arith.constant 0 : i32
        %sign3A_170 = arith.cmpi slt, %jit3A, %sign3A_169 : i32
        %sign3A_171 = arith.extui %sign3A_170 : i1 to i32
        %sign3A_172 = arith.subi %sign3A_168, %sign3A_171 : i32
        %ne3A = arith.cmpi ne, %sign3A_165, %sign3A_172 : i32
        %rem3A = arith.remsi %add3A_118, %jit3A : i32
        %ne3A_173 = arith.constant 0 : i32
        %ne3A_174 = arith.cmpi ne, %rem3A, %ne3A_173 : i32
        %and3A_175 = arith.andi %ne3A, %ne3A_174 : i1
        %sub3A_176 = arith.constant 1 : i32
        %sub3A_177 = arith.subi %div3A, %sub3A_176 : i32
        %select_n3A = arith.select %and3A_175, %sub3A_177, %div3A : i32
        %jit3A_178 = arith.constant 64 : i32
        %eq3A_179 = arith.constant 0 : i32
        %eq3A_180 = arith.cmpi eq, %jit3A_178, %eq3A_179 : i32
        %jit3A_181 = arith.constant 1 : i32
        %select_n3A_182 = arith.select %eq3A_180, %jit3A_181, %jit3A_178 : i32
        %rem3A_183 = arith.remsi %add3A_118, %select_n3A_182 : i32
        %ne3A_184 = arith.constant 0 : i32
        %ne3A_185 = arith.cmpi ne, %rem3A_183, %ne3A_184 : i32
        %lt3A_186 = arith.constant 0 : i32
        %lt3A_187 = arith.cmpi slt, %rem3A_183, %lt3A_186 : i32
        %lt3A_188 = arith.constant 0 : i32
        %lt3A_189 = arith.cmpi slt, %select_n3A_182, %lt3A_188 : i32
        %ne3A_190 = arith.xori %lt3A_187, %lt3A_189 : i1
        %and3A_191 = arith.andi %ne3A_190, %ne3A_185 : i1
        %add3A_192 = arith.addi %rem3A_183, %select_n3A_182 : i32
        %select_n3A_193 = arith.select %and3A_191, %add3A_192, %rem3A_183 : i32
        %mul3A_194 = arith.constant 32 : i32
        %mul3A_195 = arith.muli %select_n3A_193, %mul3A_194 : i32
        %dma_wait3A = arith.constant 0 : i32
        %dma_wait3A_196 = tpu.memref_slice %arg2[%select_n3A, %mul3A_195, %dma_wait3A] : memref<12x2050x1024xf32, #tpu.memory_space<hbm>> -> memref<1x32x1024xf32, #tpu.memory_space<hbm>>
        %dma_wait3A_197 = tpu.memref_squeeze %dma_wait3A_196 : memref<1x32x1024xf32, #tpu.memory_space<hbm>> -> memref<32x1024xf32, #tpu.memory_space<hbm>>
        %dma_wait3A_198 = arith.constant 0 : i32
        %dma_wait3A_199 = tpu.memref_slice %arg2[%select_n3A, %mul3A_195, %dma_wait3A_198] : memref<12x2050x1024xf32, #tpu.memory_space<hbm>> -> memref<1x32x1024xf32, #tpu.memory_space<hbm>>
        %dma_wait3A_200 = tpu.memref_squeeze %dma_wait3A_199 : memref<1x32x1024xf32, #tpu.memory_space<hbm>> -> memref<32x1024xf32, #tpu.memory_space<hbm>>
        tpu.wait_dma2 semaphore(%arg8 : memref<!tpu.dma_semaphore, #tpu.memory_space<semaphore_mem>>) src(%dma_wait3A_200 : memref<32x1024xf32, #tpu.memory_space<hbm>>) dst(%arg5 : memref<32x1024xf32, #tpu.memory_space<vmem>>)
        %dma_start3A = arith.constant 0 : i32
        %dma_start3A_201 = tpu.memref_slice %arg3[%select_n3A, %mul3A_195, %dma_start3A] : memref<12x2050x1024xf32, #tpu.memory_space<hbm>> -> memref<1x32x1024xf32, #tpu.memory_space<hbm>>
        %dma_start3A_202 = tpu.memref_squeeze %dma_start3A_201 : memref<1x32x1024xf32, #tpu.memory_space<hbm>> -> memref<32x1024xf32, #tpu.memory_space<hbm>>
        %dma_start3A_203 = arith.constant 0 : i32
        %dma_start3A_204 = tpu.memref_slice %arg3[%select_n3A, %mul3A_195, %dma_start3A_203] : memref<12x2050x1024xf32, #tpu.memory_space<hbm>> -> memref<1x32x1024xf32, #tpu.memory_space<hbm>>
        %dma_start3A_205 = tpu.memref_squeeze %dma_start3A_204 : memref<1x32x1024xf32, #tpu.memory_space<hbm>> -> memref<32x1024xf32, #tpu.memory_space<hbm>>
        tpu.enqueue_dma source(%arg5 : memref<32x1024xf32, #tpu.memory_space<vmem>>) target(%dma_start3A_205 : memref<32x1024xf32, #tpu.memory_space<hbm>>) target_semaphore(%arg11 : memref<!tpu.dma_semaphore, #tpu.memory_space<semaphore_mem>>)
      } else {
      }
      %sub3A_124 = arith.constant 1 : i32
      %sub3A_125 = arith.subi %add3A_115, %sub3A_124 : i32
      %mul3A_126 = arith.constant 32 : i32
      %mul3A_127 = arith.muli %sub3A_125, %mul3A_126 : i32
      %add3A_128 = arith.addi %add3A, %mul3A_127 : i32
      %ge3A_129 = arith.constant 0 : i32
      %ge3A_130 = arith.cmpi sge, %sub3A_125, %ge3A_129 : i32
      %lt3A_131 = arith.constant 768 : i32
      %lt3A_132 = arith.cmpi slt, %add3A_128, %lt3A_131 : i32
      %and3A_133 = arith.andi %ge3A_130, %lt3A_132 : i1
      %convert_element_type3A_134 = arith.extui %and3A_133 : i1 to i32
      %cond3A_135 = arith.constant 0 : i32
      %cond3A_136 = arith.cmpi ne, %convert_element_type3A_134, %cond3A_135 : i32
      scf.if %cond3A_136 {
        %jit3A = arith.constant 64 : i32
        %div3A = arith.divsi %add3A_128, %jit3A : i32
        %sign3A = arith.constant 0 : i32
        %sign3A_160 = arith.cmpi sgt, %add3A_128, %sign3A : i32
        %sign3A_161 = arith.extui %sign3A_160 : i1 to i32
        %sign3A_162 = arith.constant 0 : i32
        %sign3A_163 = arith.cmpi slt, %add3A_128, %sign3A_162 : i32
        %sign3A_164 = arith.extui %sign3A_163 : i1 to i32
        %sign3A_165 = arith.subi %sign3A_161, %sign3A_164 : i32
        %sign3A_166 = arith.constant 0 : i32
        %sign3A_167 = arith.cmpi sgt, %jit3A, %sign3A_166 : i32
        %sign3A_168 = arith.extui %sign3A_167 : i1 to i32
        %sign3A_169 = arith.constant 0 : i32
        %sign3A_170 = arith.cmpi slt, %jit3A, %sign3A_169 : i32
        %sign3A_171 = arith.extui %sign3A_170 : i1 to i32
        %sign3A_172 = arith.subi %sign3A_168, %sign3A_171 : i32
        %ne3A = arith.cmpi ne, %sign3A_165, %sign3A_172 : i32
        %rem3A = arith.remsi %add3A_128, %jit3A : i32
        %ne3A_173 = arith.constant 0 : i32
        %ne3A_174 = arith.cmpi ne, %rem3A, %ne3A_173 : i32
        %and3A_175 = arith.andi %ne3A, %ne3A_174 : i1
        %sub3A_176 = arith.constant 1 : i32
        %sub3A_177 = arith.subi %div3A, %sub3A_176 : i32
        %select_n3A = arith.select %and3A_175, %sub3A_177, %div3A : i32
        %jit3A_178 = arith.constant 64 : i32
        %eq3A_179 = arith.constant 0 : i32
        %eq3A_180 = arith.cmpi eq, %jit3A_178, %eq3A_179 : i32
        %jit3A_181 = arith.constant 1 : i32
        %select_n3A_182 = arith.select %eq3A_180, %jit3A_181, %jit3A_178 : i32
        %rem3A_183 = arith.remsi %add3A_128, %select_n3A_182 : i32
        %ne3A_184 = arith.constant 0 : i32
        %ne3A_185 = arith.cmpi ne, %rem3A_183, %ne3A_184 : i32
        %lt3A_186 = arith.constant 0 : i32
        %lt3A_187 = arith.cmpi slt, %rem3A_183, %lt3A_186 : i32
        %lt3A_188 = arith.constant 0 : i32
        %lt3A_189 = arith.cmpi slt, %select_n3A_182, %lt3A_188 : i32
        %ne3A_190 = arith.xori %lt3A_187, %lt3A_189 : i1
        %and3A_191 = arith.andi %ne3A_190, %ne3A_185 : i1
        %add3A_192 = arith.addi %rem3A_183, %select_n3A_182 : i32
        %select_n3A_193 = arith.select %and3A_191, %add3A_192, %rem3A_183 : i32
        %mul3A_194 = arith.constant 32 : i32
        %mul3A_195 = arith.muli %select_n3A_193, %mul3A_194 : i32
        %dma_wait3A = arith.constant 0 : i32
        %dma_wait3A_196 = tpu.memref_slice %arg3[%select_n3A, %mul3A_195, %dma_wait3A] : memref<12x2050x1024xf32, #tpu.memory_space<hbm>> -> memref<1x32x1024xf32, #tpu.memory_space<hbm>>
        %dma_wait3A_197 = tpu.memref_squeeze %dma_wait3A_196 : memref<1x32x1024xf32, #tpu.memory_space<hbm>> -> memref<32x1024xf32, #tpu.memory_space<hbm>>
        %dma_wait3A_198 = arith.constant 0 : i32
        %dma_wait3A_199 = tpu.memref_slice %arg3[%select_n3A, %mul3A_195, %dma_wait3A_198] : memref<12x2050x1024xf32, #tpu.memory_space<hbm>> -> memref<1x32x1024xf32, #tpu.memory_space<hbm>>
        %dma_wait3A_200 = tpu.memref_squeeze %dma_wait3A_199 : memref<1x32x1024xf32, #tpu.memory_space<hbm>> -> memref<32x1024xf32, #tpu.memory_space<hbm>>
        tpu.wait_dma2 semaphore(%arg10 : memref<!tpu.dma_semaphore, #tpu.memory_space<semaphore_mem>>) src(%arg4 : memref<32x1024xf32, #tpu.memory_space<vmem>>) dst(%dma_wait3A_200 : memref<32x1024xf32, #tpu.memory_space<hbm>>)
        %add3A_201 = arith.constant 3 : i32
        %add3A_202 = arith.addi %sub3A_125, %add3A_201 : i32
        %mul3A_203 = arith.constant 32 : i32
        %mul3A_204 = arith.muli %add3A_202, %mul3A_203 : i32
        %add3A_205 = arith.addi %add3A, %mul3A_204 : i32
        %lt3A_206 = arith.constant 768 : i32
        %lt3A_207 = arith.cmpi slt, %add3A_205, %lt3A_206 : i32
        %convert_element_type3A_208 = arith.extui %lt3A_207 : i1 to i32
        %cond3A_209 = arith.constant 0 : i32
        %cond3A_210 = arith.cmpi ne, %convert_element_type3A_208, %cond3A_209 : i32
        scf.if %cond3A_210 {
          %jit3A_211 = arith.constant 64 : i32
          %div3A_212 = arith.divsi %add3A_205, %jit3A_211 : i32
          %sign3A_213 = arith.constant 0 : i32
          %sign3A_214 = arith.cmpi sgt, %add3A_205, %sign3A_213 : i32
          %sign3A_215 = arith.extui %sign3A_214 : i1 to i32
          %sign3A_216 = arith.constant 0 : i32
          %sign3A_217 = arith.cmpi slt, %add3A_205, %sign3A_216 : i32
          %sign3A_218 = arith.extui %sign3A_217 : i1 to i32
          %sign3A_219 = arith.subi %sign3A_215, %sign3A_218 : i32
          %sign3A_220 = arith.constant 0 : i32
          %sign3A_221 = arith.cmpi sgt, %jit3A_211, %sign3A_220 : i32
          %sign3A_222 = arith.extui %sign3A_221 : i1 to i32
          %sign3A_223 = arith.constant 0 : i32
          %sign3A_224 = arith.cmpi slt, %jit3A_211, %sign3A_223 : i32
          %sign3A_225 = arith.extui %sign3A_224 : i1 to i32
          %sign3A_226 = arith.subi %sign3A_222, %sign3A_225 : i32
          %ne3A_227 = arith.cmpi ne, %sign3A_219, %sign3A_226 : i32
          %rem3A_228 = arith.remsi %add3A_205, %jit3A_211 : i32
          %ne3A_229 = arith.constant 0 : i32
          %ne3A_230 = arith.cmpi ne, %rem3A_228, %ne3A_229 : i32
          %and3A_231 = arith.andi %ne3A_227, %ne3A_230 : i1
          %sub3A_232 = arith.constant 1 : i32
          %sub3A_233 = arith.subi %div3A_212, %sub3A_232 : i32
          %select_n3A_234 = arith.select %and3A_231, %sub3A_233, %div3A_212 : i32
          %jit3A_235 = arith.constant 64 : i32
          %eq3A_236 = arith.constant 0 : i32
          %eq3A_237 = arith.cmpi eq, %jit3A_235, %eq3A_236 : i32
          %jit3A_238 = arith.constant 1 : i32
          %select_n3A_239 = arith.select %eq3A_237, %jit3A_238, %jit3A_235 : i32
          %rem3A_240 = arith.remsi %add3A_205, %select_n3A_239 : i32
          %ne3A_241 = arith.constant 0 : i32
          %ne3A_242 = arith.cmpi ne, %rem3A_240, %ne3A_241 : i32
          %lt3A_243 = arith.constant 0 : i32
          %lt3A_244 = arith.cmpi slt, %rem3A_240, %lt3A_243 : i32
          %lt3A_245 = arith.constant 0 : i32
          %lt3A_246 = arith.cmpi slt, %select_n3A_239, %lt3A_245 : i32
          %ne3A_247 = arith.xori %lt3A_244, %lt3A_246 : i1
          %and3A_248 = arith.andi %ne3A_247, %ne3A_242 : i1
          %add3A_249 = arith.addi %rem3A_240, %select_n3A_239 : i32
          %select_n3A_250 = arith.select %and3A_248, %add3A_249, %rem3A_240 : i32
          %mul3A_251 = arith.constant 32 : i32
          %mul3A_252 = arith.muli %select_n3A_250, %mul3A_251 : i32
          %dma_start3A = arith.constant 0 : i32
          %dma_start3A_253 = tpu.memref_slice %arg2[%select_n3A_234, %mul3A_252, %dma_start3A] : memref<12x2050x1024xf32, #tpu.memory_space<hbm>> -> memref<1x32x1024xf32, #tpu.memory_space<hbm>>
          %dma_start3A_254 = tpu.memref_squeeze %dma_start3A_253 : memref<1x32x1024xf32, #tpu.memory_space<hbm>> -> memref<32x1024xf32, #tpu.memory_space<hbm>>
          %dma_start3A_255 = arith.constant 0 : i32
          %dma_start3A_256 = tpu.memref_slice %arg2[%select_n3A_234, %mul3A_252, %dma_start3A_255] : memref<12x2050x1024xf32, #tpu.memory_space<hbm>> -> memref<1x32x1024xf32, #tpu.memory_space<hbm>>
          %dma_start3A_257 = tpu.memref_squeeze %dma_start3A_256 : memref<1x32x1024xf32, #tpu.memory_space<hbm>> -> memref<32x1024xf32, #tpu.memory_space<hbm>>
          tpu.enqueue_dma source(%dma_start3A_257 : memref<32x1024xf32, #tpu.memory_space<hbm>>) target(%arg4 : memref<32x1024xf32, #tpu.memory_space<vmem>>) target_semaphore(%arg7 : memref<!tpu.dma_semaphore, #tpu.memory_space<semaphore_mem>>)
        } else {
        }
      } else {
      }
      %add3A_137 = arith.constant 2 : i32
      %add3A_138 = arith.addi %add3A_93, %add3A_137 : i32
      %mul3A_139 = arith.constant 32 : i32
      %mul3A_140 = arith.muli %add3A_138, %mul3A_139 : i32
      %add3A_141 = arith.addi %add3A, %mul3A_140 : i32
      %lt3A_142 = arith.constant 768 : i32
      %lt3A_143 = arith.cmpi slt, %add3A_141, %lt3A_142 : i32
      %convert_element_type3A_144 = arith.extui %lt3A_143 : i1 to i32
      %cond3A_145 = arith.constant 0 : i32
      %cond3A_146 = arith.cmpi ne, %convert_element_type3A_144, %cond3A_145 : i32
      scf.if %cond3A_146 {
        %jit3A = arith.constant 64 : i32
        %div3A = arith.divsi %add3A_141, %jit3A : i32
        %sign3A = arith.constant 0 : i32
        %sign3A_160 = arith.cmpi sgt, %add3A_141, %sign3A : i32
        %sign3A_161 = arith.extui %sign3A_160 : i1 to i32
        %sign3A_162 = arith.constant 0 : i32
        %sign3A_163 = arith.cmpi slt, %add3A_141, %sign3A_162 : i32
        %sign3A_164 = arith.extui %sign3A_163 : i1 to i32
        %sign3A_165 = arith.subi %sign3A_161, %sign3A_164 : i32
        %sign3A_166 = arith.constant 0 : i32
        %sign3A_167 = arith.cmpi sgt, %jit3A, %sign3A_166 : i32
        %sign3A_168 = arith.extui %sign3A_167 : i1 to i32
        %sign3A_169 = arith.constant 0 : i32
        %sign3A_170 = arith.cmpi slt, %jit3A, %sign3A_169 : i32
        %sign3A_171 = arith.extui %sign3A_170 : i1 to i32
        %sign3A_172 = arith.subi %sign3A_168, %sign3A_171 : i32
        %ne3A = arith.cmpi ne, %sign3A_165, %sign3A_172 : i32
        %rem3A = arith.remsi %add3A_141, %jit3A : i32
        %ne3A_173 = arith.constant 0 : i32
        %ne3A_174 = arith.cmpi ne, %rem3A, %ne3A_173 : i32
        %and3A_175 = arith.andi %ne3A, %ne3A_174 : i1
        %sub3A_176 = arith.constant 1 : i32
        %sub3A_177 = arith.subi %div3A, %sub3A_176 : i32
        %select_n3A = arith.select %and3A_175, %sub3A_177, %div3A : i32
        %jit3A_178 = arith.constant 64 : i32
        %eq3A_179 = arith.constant 0 : i32
        %eq3A_180 = arith.cmpi eq, %jit3A_178, %eq3A_179 : i32
        %jit3A_181 = arith.constant 1 : i32
        %select_n3A_182 = arith.select %eq3A_180, %jit3A_181, %jit3A_178 : i32
        %rem3A_183 = arith.remsi %add3A_141, %select_n3A_182 : i32
        %ne3A_184 = arith.constant 0 : i32
        %ne3A_185 = arith.cmpi ne, %rem3A_183, %ne3A_184 : i32
        %lt3A_186 = arith.constant 0 : i32
        %lt3A_187 = arith.cmpi slt, %rem3A_183, %lt3A_186 : i32
        %lt3A_188 = arith.constant 0 : i32
        %lt3A_189 = arith.cmpi slt, %select_n3A_182, %lt3A_188 : i32
        %ne3A_190 = arith.xori %lt3A_187, %lt3A_189 : i1
        %and3A_191 = arith.andi %ne3A_190, %ne3A_185 : i1
        %add3A_192 = arith.addi %rem3A_183, %select_n3A_182 : i32
        %select_n3A_193 = arith.select %and3A_191, %add3A_192, %rem3A_183 : i32
        %mul3A_194 = arith.constant 32 : i32
        %mul3A_195 = arith.muli %select_n3A_193, %mul3A_194 : i32
        %dma_wait3A = arith.constant 0 : i32
        %dma_wait3A_196 = tpu.memref_slice %arg2[%select_n3A, %mul3A_195, %dma_wait3A] : memref<12x2050x1024xf32, #tpu.memory_space<hbm>> -> memref<1x32x1024xf32, #tpu.memory_space<hbm>>
        %dma_wait3A_197 = tpu.memref_squeeze %dma_wait3A_196 : memref<1x32x1024xf32, #tpu.memory_space<hbm>> -> memref<32x1024xf32, #tpu.memory_space<hbm>>
        %dma_wait3A_198 = arith.constant 0 : i32
        %dma_wait3A_199 = tpu.memref_slice %arg2[%select_n3A, %mul3A_195, %dma_wait3A_198] : memref<12x2050x1024xf32, #tpu.memory_space<hbm>> -> memref<1x32x1024xf32, #tpu.memory_space<hbm>>
        %dma_wait3A_200 = tpu.memref_squeeze %dma_wait3A_199 : memref<1x32x1024xf32, #tpu.memory_space<hbm>> -> memref<32x1024xf32, #tpu.memory_space<hbm>>
        tpu.wait_dma2 semaphore(%arg9 : memref<!tpu.dma_semaphore, #tpu.memory_space<semaphore_mem>>) src(%dma_wait3A_200 : memref<32x1024xf32, #tpu.memory_space<hbm>>) dst(%arg6 : memref<32x1024xf32, #tpu.memory_space<vmem>>)
        %dma_start3A = arith.constant 0 : i32
        %dma_start3A_201 = tpu.memref_slice %arg3[%select_n3A, %mul3A_195, %dma_start3A] : memref<12x2050x1024xf32, #tpu.memory_space<hbm>> -> memref<1x32x1024xf32, #tpu.memory_space<hbm>>
        %dma_start3A_202 = tpu.memref_squeeze %dma_start3A_201 : memref<1x32x1024xf32, #tpu.memory_space<hbm>> -> memref<32x1024xf32, #tpu.memory_space<hbm>>
        %dma_start3A_203 = arith.constant 0 : i32
        %dma_start3A_204 = tpu.memref_slice %arg3[%select_n3A, %mul3A_195, %dma_start3A_203] : memref<12x2050x1024xf32, #tpu.memory_space<hbm>> -> memref<1x32x1024xf32, #tpu.memory_space<hbm>>
        %dma_start3A_205 = tpu.memref_squeeze %dma_start3A_204 : memref<1x32x1024xf32, #tpu.memory_space<hbm>> -> memref<32x1024xf32, #tpu.memory_space<hbm>>
        tpu.enqueue_dma source(%arg6 : memref<32x1024xf32, #tpu.memory_space<vmem>>) target(%dma_start3A_205 : memref<32x1024xf32, #tpu.memory_space<hbm>>) target_semaphore(%arg12 : memref<!tpu.dma_semaphore, #tpu.memory_space<semaphore_mem>>)
      } else {
      }
      %sub3A_147 = arith.constant 1 : i32
      %sub3A_148 = arith.subi %add3A_138, %sub3A_147 : i32
      %mul3A_149 = arith.constant 32 : i32
      %mul3A_150 = arith.muli %sub3A_148, %mul3A_149 : i32
      %add3A_151 = arith.addi %add3A, %mul3A_150 : i32
      %ge3A_152 = arith.constant 0 : i32
      %ge3A_153 = arith.cmpi sge, %sub3A_148, %ge3A_152 : i32
      %lt3A_154 = arith.constant 768 : i32
      %lt3A_155 = arith.cmpi slt, %add3A_151, %lt3A_154 : i32
      %and3A_156 = arith.andi %ge3A_153, %lt3A_155 : i1
      %convert_element_type3A_157 = arith.extui %and3A_156 : i1 to i32
      %cond3A_158 = arith.constant 0 : i32
      %cond3A_159 = arith.cmpi ne, %convert_element_type3A_157, %cond3A_158 : i32
      scf.if %cond3A_159 {
        %jit3A = arith.constant 64 : i32
        %div3A = arith.divsi %add3A_151, %jit3A : i32
        %sign3A = arith.constant 0 : i32
        %sign3A_160 = arith.cmpi sgt, %add3A_151, %sign3A : i32
        %sign3A_161 = arith.extui %sign3A_160 : i1 to i32
        %sign3A_162 = arith.constant 0 : i32
        %sign3A_163 = arith.cmpi slt, %add3A_151, %sign3A_162 : i32
        %sign3A_164 = arith.extui %sign3A_163 : i1 to i32
        %sign3A_165 = arith.subi %sign3A_161, %sign3A_164 : i32
        %sign3A_166 = arith.constant 0 : i32
        %sign3A_167 = arith.cmpi sgt, %jit3A, %sign3A_166 : i32
        %sign3A_168 = arith.extui %sign3A_167 : i1 to i32
        %sign3A_169 = arith.constant 0 : i32
        %sign3A_170 = arith.cmpi slt, %jit3A, %sign3A_169 : i32
        %sign3A_171 = arith.extui %sign3A_170 : i1 to i32
        %sign3A_172 = arith.subi %sign3A_168, %sign3A_171 : i32
        %ne3A = arith.cmpi ne, %sign3A_165, %sign3A_172 : i32
        %rem3A = arith.remsi %add3A_151, %jit3A : i32
        %ne3A_173 = arith.constant 0 : i32
        %ne3A_174 = arith.cmpi ne, %rem3A, %ne3A_173 : i32
        %and3A_175 = arith.andi %ne3A, %ne3A_174 : i1
        %sub3A_176 = arith.constant 1 : i32
        %sub3A_177 = arith.subi %div3A, %sub3A_176 : i32
        %select_n3A = arith.select %and3A_175, %sub3A_177, %div3A : i32
        %jit3A_178 = arith.constant 64 : i32
        %eq3A_179 = arith.constant 0 : i32
        %eq3A_180 = arith.cmpi eq, %jit3A_178, %eq3A_179 : i32
        %jit3A_181 = arith.constant 1 : i32
        %select_n3A_182 = arith.select %eq3A_180, %jit3A_181, %jit3A_178 : i32
        %rem3A_183 = arith.remsi %add3A_151, %select_n3A_182 : i32
        %ne3A_184 = arith.constant 0 : i32
        %ne3A_185 = arith.cmpi ne, %rem3A_183, %ne3A_184 : i32
        %lt3A_186 = arith.constant 0 : i32
        %lt3A_187 = arith.cmpi slt, %rem3A_183, %lt3A_186 : i32
        %lt3A_188 = arith.constant 0 : i32
        %lt3A_189 = arith.cmpi slt, %select_n3A_182, %lt3A_188 : i32
        %ne3A_190 = arith.xori %lt3A_187, %lt3A_189 : i1
        %and3A_191 = arith.andi %ne3A_190, %ne3A_185 : i1
        %add3A_192 = arith.addi %rem3A_183, %select_n3A_182 : i32
        %select_n3A_193 = arith.select %and3A_191, %add3A_192, %rem3A_183 : i32
        %mul3A_194 = arith.constant 32 : i32
        %mul3A_195 = arith.muli %select_n3A_193, %mul3A_194 : i32
        %dma_wait3A = arith.constant 0 : i32
        %dma_wait3A_196 = tpu.memref_slice %arg3[%select_n3A, %mul3A_195, %dma_wait3A] : memref<12x2050x1024xf32, #tpu.memory_space<hbm>> -> memref<1x32x1024xf32, #tpu.memory_space<hbm>>
        %dma_wait3A_197 = tpu.memref_squeeze %dma_wait3A_196 : memref<1x32x1024xf32, #tpu.memory_space<hbm>> -> memref<32x1024xf32, #tpu.memory_space<hbm>>
        %dma_wait3A_198 = arith.constant 0 : i32
        %dma_wait3A_199 = tpu.memref_slice %arg3[%select_n3A, %mul3A_195, %dma_wait3A_198] : memref<12x2050x1024xf32, #tpu.memory_space<hbm>> -> memref<1x32x1024xf32, #tpu.memory_space<hbm>>
        %dma_wait3A_200 = tpu.memref_squeeze %dma_wait3A_199 : memref<1x32x1024xf32, #tpu.memory_space<hbm>> -> memref<32x1024xf32, #tpu.memory_space<hbm>>
        tpu.wait_dma2 semaphore(%arg11 : memref<!tpu.dma_semaphore, #tpu.memory_space<semaphore_mem>>) src(%arg5 : memref<32x1024xf32, #tpu.memory_space<vmem>>) dst(%dma_wait3A_200 : memref<32x1024xf32, #tpu.memory_space<hbm>>)
        %add3A_201 = arith.constant 3 : i32
        %add3A_202 = arith.addi %sub3A_148, %add3A_201 : i32
        %mul3A_203 = arith.constant 32 : i32
        %mul3A_204 = arith.muli %add3A_202, %mul3A_203 : i32
        %add3A_205 = arith.addi %add3A, %mul3A_204 : i32
        %lt3A_206 = arith.constant 768 : i32
        %lt3A_207 = arith.cmpi slt, %add3A_205, %lt3A_206 : i32
        %convert_element_type3A_208 = arith.extui %lt3A_207 : i1 to i32
        %cond3A_209 = arith.constant 0 : i32
        %cond3A_210 = arith.cmpi ne, %convert_element_type3A_208, %cond3A_209 : i32
        scf.if %cond3A_210 {
          %jit3A_211 = arith.constant 64 : i32
          %div3A_212 = arith.divsi %add3A_205, %jit3A_211 : i32
          %sign3A_213 = arith.constant 0 : i32
          %sign3A_214 = arith.cmpi sgt, %add3A_205, %sign3A_213 : i32
          %sign3A_215 = arith.extui %sign3A_214 : i1 to i32
          %sign3A_216 = arith.constant 0 : i32
          %sign3A_217 = arith.cmpi slt, %add3A_205, %sign3A_216 : i32
          %sign3A_218 = arith.extui %sign3A_217 : i1 to i32
          %sign3A_219 = arith.subi %sign3A_215, %sign3A_218 : i32
          %sign3A_220 = arith.constant 0 : i32
          %sign3A_221 = arith.cmpi sgt, %jit3A_211, %sign3A_220 : i32
          %sign3A_222 = arith.extui %sign3A_221 : i1 to i32
          %sign3A_223 = arith.constant 0 : i32
          %sign3A_224 = arith.cmpi slt, %jit3A_211, %sign3A_223 : i32
          %sign3A_225 = arith.extui %sign3A_224 : i1 to i32
          %sign3A_226 = arith.subi %sign3A_222, %sign3A_225 : i32
          %ne3A_227 = arith.cmpi ne, %sign3A_219, %sign3A_226 : i32
          %rem3A_228 = arith.remsi %add3A_205, %jit3A_211 : i32
          %ne3A_229 = arith.constant 0 : i32
          %ne3A_230 = arith.cmpi ne, %rem3A_228, %ne3A_229 : i32
          %and3A_231 = arith.andi %ne3A_227, %ne3A_230 : i1
          %sub3A_232 = arith.constant 1 : i32
          %sub3A_233 = arith.subi %div3A_212, %sub3A_232 : i32
          %select_n3A_234 = arith.select %and3A_231, %sub3A_233, %div3A_212 : i32
          %jit3A_235 = arith.constant 64 : i32
          %eq3A_236 = arith.constant 0 : i32
          %eq3A_237 = arith.cmpi eq, %jit3A_235, %eq3A_236 : i32
          %jit3A_238 = arith.constant 1 : i32
          %select_n3A_239 = arith.select %eq3A_237, %jit3A_238, %jit3A_235 : i32
          %rem3A_240 = arith.remsi %add3A_205, %select_n3A_239 : i32
          %ne3A_241 = arith.constant 0 : i32
          %ne3A_242 = arith.cmpi ne, %rem3A_240, %ne3A_241 : i32
          %lt3A_243 = arith.constant 0 : i32
          %lt3A_244 = arith.cmpi slt, %rem3A_240, %lt3A_243 : i32
          %lt3A_245 = arith.constant 0 : i32
          %lt3A_246 = arith.cmpi slt, %select_n3A_239, %lt3A_245 : i32
          %ne3A_247 = arith.xori %lt3A_244, %lt3A_246 : i1
          %and3A_248 = arith.andi %ne3A_247, %ne3A_242 : i1
          %add3A_249 = arith.addi %rem3A_240, %select_n3A_239 : i32
          %select_n3A_250 = arith.select %and3A_248, %add3A_249, %rem3A_240 : i32
          %mul3A_251 = arith.constant 32 : i32
          %mul3A_252 = arith.muli %select_n3A_250, %mul3A_251 : i32
          %dma_start3A = arith.constant 0 : i32
          %dma_start3A_253 = tpu.memref_slice %arg2[%select_n3A_234, %mul3A_252, %dma_start3A] : memref<12x2050x1024xf32, #tpu.memory_space<hbm>> -> memref<1x32x1024xf32, #tpu.memory_space<hbm>>
          %dma_start3A_254 = tpu.memref_squeeze %dma_start3A_253 : memref<1x32x1024xf32, #tpu.memory_space<hbm>> -> memref<32x1024xf32, #tpu.memory_space<hbm>>
          %dma_start3A_255 = arith.constant 0 : i32
          %dma_start3A_256 = tpu.memref_slice %arg2[%select_n3A_234, %mul3A_252, %dma_start3A_255] : memref<12x2050x1024xf32, #tpu.memory_space<hbm>> -> memref<1x32x1024xf32, #tpu.memory_space<hbm>>
          %dma_start3A_257 = tpu.memref_squeeze %dma_start3A_256 : memref<1x32x1024xf32, #tpu.memory_space<hbm>> -> memref<32x1024xf32, #tpu.memory_space<hbm>>
          tpu.enqueue_dma source(%dma_start3A_257 : memref<32x1024xf32, #tpu.memory_space<hbm>>) target(%arg5 : memref<32x1024xf32, #tpu.memory_space<vmem>>) target_semaphore(%arg8 : memref<!tpu.dma_semaphore, #tpu.memory_space<semaphore_mem>>)
        } else {
        }
      } else {
      }
    }
    %scan3A_81 = arith.constant 8 : i32
    %add3A_82 = arith.constant 736 : i32
    %add3A_83 = arith.addi %add3A, %add3A_82 : i32
    %lt3A_84 = arith.constant 768 : i32
    %lt3A_85 = arith.cmpi slt, %add3A_83, %lt3A_84 : i32
    %convert_element_type3A_86 = arith.extui %lt3A_85 : i1 to i32
    %cond3A_87 = arith.constant 0 : i32
    %cond3A_88 = arith.cmpi ne, %convert_element_type3A_86, %cond3A_87 : i32
    scf.if %cond3A_88 {
      %jit3A = arith.constant 64 : i32
      %div3A = arith.divsi %add3A_83, %jit3A : i32
      %sign3A = arith.constant 0 : i32
      %sign3A_89 = arith.cmpi sgt, %add3A_83, %sign3A : i32
      %sign3A_90 = arith.extui %sign3A_89 : i1 to i32
      %sign3A_91 = arith.constant 0 : i32
      %sign3A_92 = arith.cmpi slt, %add3A_83, %sign3A_91 : i32
      %sign3A_93 = arith.extui %sign3A_92 : i1 to i32
      %sign3A_94 = arith.subi %sign3A_90, %sign3A_93 : i32
      %sign3A_95 = arith.constant 0 : i32
      %sign3A_96 = arith.cmpi sgt, %jit3A, %sign3A_95 : i32
      %sign3A_97 = arith.extui %sign3A_96 : i1 to i32
      %sign3A_98 = arith.constant 0 : i32
      %sign3A_99 = arith.cmpi slt, %jit3A, %sign3A_98 : i32
      %sign3A_100 = arith.extui %sign3A_99 : i1 to i32
      %sign3A_101 = arith.subi %sign3A_97, %sign3A_100 : i32
      %ne3A = arith.cmpi ne, %sign3A_94, %sign3A_101 : i32
      %rem3A = arith.remsi %add3A_83, %jit3A : i32
      %ne3A_102 = arith.constant 0 : i32
      %ne3A_103 = arith.cmpi ne, %rem3A, %ne3A_102 : i32
      %and3A = arith.andi %ne3A, %ne3A_103 : i1
      %sub3A = arith.constant 1 : i32
      %sub3A_104 = arith.subi %div3A, %sub3A : i32
      %select_n3A = arith.select %and3A, %sub3A_104, %div3A : i32
      %jit3A_105 = arith.constant 64 : i32
      %eq3A_106 = arith.constant 0 : i32
      %eq3A_107 = arith.cmpi eq, %jit3A_105, %eq3A_106 : i32
      %jit3A_108 = arith.constant 1 : i32
      %select_n3A_109 = arith.select %eq3A_107, %jit3A_108, %jit3A_105 : i32
      %rem3A_110 = arith.remsi %add3A_83, %select_n3A_109 : i32
      %ne3A_111 = arith.constant 0 : i32
      %ne3A_112 = arith.cmpi ne, %rem3A_110, %ne3A_111 : i32
      %lt3A_113 = arith.constant 0 : i32
      %lt3A_114 = arith.cmpi slt, %rem3A_110, %lt3A_113 : i32
      %lt3A_115 = arith.constant 0 : i32
      %lt3A_116 = arith.cmpi slt, %select_n3A_109, %lt3A_115 : i32
      %ne3A_117 = arith.xori %lt3A_114, %lt3A_116 : i1
      %and3A_118 = arith.andi %ne3A_117, %ne3A_112 : i1
      %add3A_119 = arith.addi %rem3A_110, %select_n3A_109 : i32
      %select_n3A_120 = arith.select %and3A_118, %add3A_119, %rem3A_110 : i32
      %mul3A_121 = arith.constant 32 : i32
      %mul3A_122 = arith.muli %select_n3A_120, %mul3A_121 : i32
      %dma_wait3A = arith.constant 0 : i32
      %dma_wait3A_123 = tpu.memref_slice %arg3[%select_n3A, %mul3A_122, %dma_wait3A] : memref<12x2050x1024xf32, #tpu.memory_space<hbm>> -> memref<1x32x1024xf32, #tpu.memory_space<hbm>>
      %dma_wait3A_124 = tpu.memref_squeeze %dma_wait3A_123 : memref<1x32x1024xf32, #tpu.memory_space<hbm>> -> memref<32x1024xf32, #tpu.memory_space<hbm>>
      %dma_wait3A_125 = arith.constant 0 : i32
      %dma_wait3A_126 = tpu.memref_slice %arg3[%select_n3A, %mul3A_122, %dma_wait3A_125] : memref<12x2050x1024xf32, #tpu.memory_space<hbm>> -> memref<1x32x1024xf32, #tpu.memory_space<hbm>>
      %dma_wait3A_127 = tpu.memref_squeeze %dma_wait3A_126 : memref<1x32x1024xf32, #tpu.memory_space<hbm>> -> memref<32x1024xf32, #tpu.memory_space<hbm>>
      tpu.wait_dma2 semaphore(%arg12 : memref<!tpu.dma_semaphore, #tpu.memory_space<semaphore_mem>>) src(%arg6 : memref<32x1024xf32, #tpu.memory_space<vmem>>) dst(%dma_wait3A_127 : memref<32x1024xf32, #tpu.memory_space<hbm>>)
    } else {
    }
    return
  }
}

module attributes {stable_mosaic.version = 14 : i64} {
  func.func @_tc_copy_body(%arg0: i32, %arg1: i32, %arg2: memref<1x1024x1024xf32, #tpu.memory_space<vmem>>, %arg3: memref<1x1024x1024xf32, #tpu.memory_space<vmem>>, %arg4: memref<1x1024x1024xf32, #tpu.memory_space<vmem>>, %arg5: memref<1x1024x1024xf32, #tpu.memory_space<vmem>>) attributes {dimension_semantics = [#tpu.dimension_semantics<arbitrary>, #tpu.dimension_semantics<arbitrary>], iteration_bounds = array<i64: 12, 3>, scalar_prefetch = 0 : i64, scratch_operands = 0 : i64, tpu.core_type = #tpu.core_type<tc>, window_params = [{transform_indices = @transform_0, window_bounds = array<i64: 1, 1024, 1024>}, {transform_indices = @transform_1, window_bounds = array<i64: 1, 1024, 1024>}, {transform_indices = @transform_2, window_bounds = array<i64: 1, 1024, 1024>}, {transform_indices = @transform_3, window_bounds = array<i64: 1, 1024, 1024>}]} {
    %get3A = arith.constant 0 : index
    %get3A_0 = arith.constant 0 : index
    %get3A_1 = arith.constant 0 : index
    %get3A_2 = vector.load %arg2[%get3A, %get3A_0, %get3A_1] : memref<1x1024x1024xf32, #tpu.memory_space<vmem>>, vector<1x1024x1024xf32>
    %swap3A = arith.constant 0 : index
    %swap3A_3 = arith.constant 0 : index
    %swap3A_4 = arith.constant 0 : index
    %swap3A_5 = vector.load %arg4[%swap3A, %swap3A_3, %swap3A_4] : memref<1x1024x1024xf32, #tpu.memory_space<vmem>>, vector<1x1024x1024xf32>
    tpu.vector_store %arg4[%swap3A, %swap3A_3, %swap3A_4], %get3A_2 {strides = array<i32>} : memref<1x1024x1024xf32, #tpu.memory_space<vmem>>, vector<1x1024x1024xf32>,
    %get3A_6 = arith.constant 0 : index
    %get3A_7 = arith.constant 0 : index
    %get3A_8 = arith.constant 0 : index
    %get3A_9 = vector.load %arg3[%get3A_6, %get3A_7, %get3A_8] : memref<1x1024x1024xf32, #tpu.memory_space<vmem>>, vector<1x1024x1024xf32>
    %swap3A_10 = arith.constant 0 : index
    %swap3A_11 = arith.constant 0 : index
    %swap3A_12 = arith.constant 0 : index
    %swap3A_13 = vector.load %arg5[%swap3A_10, %swap3A_11, %swap3A_12] : memref<1x1024x1024xf32, #tpu.memory_space<vmem>>, vector<1x1024x1024xf32>
    tpu.vector_store %arg5[%swap3A_10, %swap3A_11, %swap3A_12], %get3A_9 {strides = array<i32>} : memref<1x1024x1024xf32, #tpu.memory_space<vmem>>, vector<1x1024x1024xf32>,
    return
  }
  func.func @transform_0(%arg0: i32, %arg1: i32) -> (i32, i32, i32) {
    %c0_i32 = arith.constant 0 : i32
    %c0_i32_0 = arith.constant 0 : i32
    return %arg0, %arg1, %c0_i32 : i32, i32, i32
  }
  func.func @transform_1(%arg0: i32, %arg1: i32) -> (i32, i32, i32) {
    %c0_i32 = arith.constant 0 : i32
    %c0_i32_0 = arith.constant 0 : i32
    return %arg0, %arg1, %c0_i32 : i32, i32, i32
  }
  func.func @transform_2(%arg0: i32, %arg1: i32) -> (i32, i32, i32) {
    %c0_i32 = arith.constant 0 : i32
    %c0_i32_0 = arith.constant 0 : i32
    return %arg0, %arg1, %c0_i32 : i32, i32, i32
  }
  func.func @transform_3(%arg0: i32, %arg1: i32) -> (i32, i32, i32) {
    %c0_i32 = arith.constant 0 : i32
    %c0_i32_0 = arith.constant 0 : i32
    return %arg0, %arg1, %c0_i32 : i32, i32, i32
  }
}

</mosaic_0001>

<sc_bundles>
// kernel: kernel.4.cloned.1.call-start
scs
__scs_entry_jumppad:
0x0: {  	(pc) =	sbr.rel $0x88, $3  }
0x1: {  	(tag) =	ssettag $0x0;
	lr =	simm.s32 $0x1  }
0x2: {  	[smem:$0x3F9E] =	sst lr;
	_ =	strace $0xD0000000  }
0x3: {  	_ = 	snop  }
0x4: {  	_ = 	snop  }
0x5: {  	_ = 	snop  }
0x6: {  	_ = 	snop  }
0x7: {  	_ = 	snop  }
__scs_overlays_trampoline_lowered:
0x8: {  	[smem:$0x3FAD] =	sst s0  }
0x9: {  	[smem:$0x3FAE] =	sst s1  }
0xa: {  	[smem:$0x3FAF] =	sst s2  }
0xb: {  	[smem:$0x3FB0] =	sst s3  }
0xc: {  	[smem:$0x3FB1] =	sst s4  }
0xd: {  	[smem:$0x3FB2] =	sst s5  }
0xe: {  	[smem:$0x3FB3] =	sst s6  }
0xf: {  	[smem:$0x3FB4] =	sst s7  }
0x10: {  	[smem:$0x3FB5] =	sst s8  }
0x11: {  	[smem:$0x3FB6] =	sst s9;
	s0 =	simm.s32 @!p0 $0x0  }
0x12: {  	s1 =	sld [smem:$0x3F9C];
	s0 =	simm.s32 @p0 $0x1  }
0x13: {  	[smem:$0x3FB7] =	sst s0;
	s0 =	simm.s32 @!p1 $0x0  }
0x14: {  	s2 =	sld [smem:$0x3F9B];
	s0 =	simm.s32 @p1 $0x1  }
0x15: {  	[smem:$0x3FB8] =	sst s0;
	s0 =	simm.s32 @!p2 $0x0  }
0x16: {  	s3 =	sld [smem:$0x3FDB];
	s0 =	simm.s32 @p2 $0x1  }
0x17: {  	s4 =	simm.s32 $0x1BF5;
	[smem:$0x3FBA] =	sst s0  }
0x18: {  	s0 =	sld [smem:$0x3F9D];
	_ =	swait.ge [sflag:s4], $0x0  }
0x19: {  	s7 =	sld [smem:$0x3F9E]  }
0x1a: {  	s8 =	sadd.s32 $0xFFFFE003, lr  }
0x1b: {  	s9 =	sadd.s32 $0xFFFFFEF7, lr;
	s5 =	simm.s32 $0xFFFFFFFF;
	p2 =	slt.u32 s8, $0xFFFFF086  }
0x1c: {  	p1 =	slt.u32 s9, $0xF7A;
	s5 =	simm.s32 @!p2 $0x0  }
0x1d: {  	s5 =	simm.s32 @p1 $0x1;
	p0 =	seq.s32 s7, s2  }
0x1e: {  	s7 =	smul.u32 @!p0 $0xF7A, s2;
	p2 =	seq.s32 @!p0 s5, $0x0  }
0x1f: {  	s9 =	smul.u32 $0xF7A, s1;
	s8 =	simm.s32 @!p0 $0x1BF5;
	p2 =	por !p2, p0  }
0x20: {  	[sflag:s8] =	ssyncset.s32 @!p0 $0xFFFFF086;
	s6 =	sadd.s32 @!p0 s3, s7;
	s7 =	simm.s32 @!p0 $0x108  }
0x21: {  	s3 =	sadd.s32 s3, s9;
	s6 =	sadd.s32 @!p0 $0x88, s6;
	s7 =	simm.s32 @p2 $0x1082  }
0x22: {  	[simem:s7], [sflag:s8] =	dma.local @!p0 [hbm:s6], $0xF7A  }
0x23: {  	s9 =	sor.u32 $0xD0000000, s2;
	s6 =	simm.s32 $0x108;
	_ =	swait.ge @!p0 [sflag:s8], $0x0  }
0x24: {  	s3 =	sadd.s32 $0x88, s3;
	s6 =	simm.s32 @!p1 $0x1082;
	[sflag:s4] =	ssyncset.s32 $0xFFFFF086  }
0x25: {  	[simem:s6], [sflag:s4] =	dma.local [hbm:s3], $0xF7A  }
0x26: {  	[smem:$0x3F9E] =	sst s1;
	(tag) =	ssettag s2;
	_ =	strace s9  }
0x27: {  	s1 =	sld [smem:$0x3FAE]  }
0x28: {  	s2 =	sld [smem:$0x3FAF]  }
0x29: {  	s4 =	sld [smem:$0x3FB1]  }
0x2a: {  	p0 =	seq.s32 s5, $0x0;
	s5 =	sld [smem:$0x3FB2]  }
0x2b: {  	s6 =	sld [smem:$0x3FB3]  }
0x2c: {  	s7 =	sld [smem:$0x3FB4]  }
0x2d: {  	s3 =	simm.s32 $0x108;
	s8 =	sld [smem:$0x3FB5]  }
0x2e: {  	s3 =	simm.s32 @!p0 $0x1082;
	s9 =	sld [smem:$0x3FB6]  }
0x2f: {  	lr =	sadd.s32 s0, s3;
	s0 =	sld [smem:$0x3FAD]  }
0x30: {  	s3 =	sld [smem:$0x3FB0]  }
0x31: {  	[smem:$0x3FB9] =	sst s10  }
0x32: {  	s10 =	sld [smem:$0x3FB7];
	_ =	sdelay $0x3  }
0x33: {  	p0 =	seq.s32 s10, $0x1;
	s10 =	sld [smem:$0x3FB9];
	_ =	sdelay $0x3  }
0x34: {  	[smem:$0x3FB9] =	sst s10  }
0x35: {  	s10 =	sld [smem:$0x3FB8];
	_ =	sdelay $0x3  }
0x36: {  	p1 =	seq.s32 s10, $0x1;
	s10 =	sld [smem:$0x3FB9];
	_ =	sdelay $0x3  }
0x37: {  	[smem:$0x3FB9] =	sst s10  }
0x38: {  	s10 =	sld [smem:$0x3FBA]  }
0x39: {  	_ = 	snop;
	(pc) =	sbr.ind lr, $3  }
0x3a: {  	_ = 	snop  }
0x3b: {  	_ = 	snop  }
0x3c: {  	p2 =	seq.s32 s10, $0x1;
	s10 =	sld [smem:$0x3FB9]  }
0x3d: {  	_ =	shalt  }
0x3e: {  	_ =	shalt  }
0x3f: {  	_ =	shalt  }
0x40: {  	_ =	shalt  }
0x41: {  	_ =	shalt  }
0x42: {  	_ =	shalt  }
0x43: {  	_ =	shalt  }
0x44: {  	_ =	shalt  }
0x45: {  	_ =	shalt  }
0x46: {  	_ =	shalt  }
0x47: {  	_ =	shalt  }
0x48: {  	_ =	shalt  }
0x49: {  	_ =	shalt  }
0x4a: {  	_ =	shalt  }
0x4b: {  	_ =	shalt  }
0x4c: {  	_ =	shalt  }
0x4d: {  	_ =	shalt  }
0x4e: {  	_ =	shalt  }
0x4f: {  	_ =	shalt  }
0x50: {  	_ =	shalt  }
0x51: {  	_ =	shalt  }
0x52: {  	_ =	shalt  }
0x53: {  	_ =	shalt  }
0x54: {  	_ =	shalt  }
0x55: {  	_ =	shalt  }
0x56: {  	_ =	shalt  }
0x57: {  	_ =	shalt  }
0x58: {  	_ =	shalt  }
0x59: {  	_ =	shalt  }
0x5a: {  	_ =	shalt  }
0x5b: {  	_ =	shalt  }
0x5c: {  	_ =	shalt  }
0x5d: {  	_ =	shalt  }
0x5e: {  	_ =	shalt  }
0x5f: {  	_ =	shalt  }
0x60: {  	_ =	shalt  }
0x61: {  	_ =	shalt  }
0x62: {  	_ =	shalt  }
0x63: {  	_ =	shalt  }
0x64: {  	_ =	shalt  }
0x65: {  	_ =	shalt  }
0x66: {  	_ =	shalt  }
0x67: {  	_ =	shalt  }
0x68: {  	_ =	shalt  }
0x69: {  	_ =	shalt  }
0x6a: {  	_ =	shalt  }
0x6b: {  	_ =	shalt  }
0x6c: {  	_ =	shalt  }
0x6d: {  	_ =	shalt  }
0x6e: {  	_ =	shalt  }
0x6f: {  	_ =	shalt  }
0x70: {  	_ =	shalt  }
0x71: {  	_ =	shalt  }
0x72: {  	_ =	shalt  }
0x73: {  	_ =	shalt  }
0x74: {  	_ =	shalt  }
0x75: {  	_ =	shalt  }
0x76: {  	_ =	shalt  }
0x77: {  	_ =	shalt  }
0x78: {  	_ =	shalt  }
0x79: {  	_ =	shalt  }
0x7a: {  	_ =	shalt  }
0x7b: {  	_ =	shalt  }
0x7c: {  	_ =	shalt  }
0x7d: {  	_ =	shalt  }
0x7e: {  	_ =	shalt  }
0x7f: {  	_ =	shalt  }
0x80: {  	_ =	shalt  }
0x81: {  	_ =	shalt  }
0x82: {  	_ =	shalt  }
0x83: {  	_ =	shalt  }
0x84: {  	_ =	shalt  }
0x85: {  	_ =	shalt  }
0x86: {  	_ =	shalt  }
0x87: {  	_ =	shalt  }
.Lfunc_end0:
.L_simem_size_0:
called_computation_lowered:
.L_overlay_start_0:
0x88: {  	s2 =	sld [smem:$0x3FD9]  }
0x89: {  	s3 =	sld [smem:$0x3FFE];
	_ =	sdelay $0x1  }
0x8a: {  	s1 =	srdreg.scid  }
0x8b: {  	s0 =	sand.u32 $0x1, s1  }
0x8c: {  	s15 =	sshll.u32 s0, $0xA;
	s2 =	sadd.s32 s3, s2  }
0x8d: {  	s2 =	sadd.s32 s2, s15  }
0x8e: {  	[smem:$0x3FC5] =	sst s2  }
0x8f: {  	_ = 	snop  }
0x90: {  	s2 =	sld [smem:$0x3FD0];
	_ =	sdelay $0x2  }
0x91: {  	s4 =	simm.s32 $0xA;
	s5 =	simm.s32 $0x10;
	s16 =	sld [smem:$0x3FC7]  }
0x92: {  	[smem:s5], [sflag:s4] =	dma.local [hbm:s2], $0x1  }
0x93: {  	_ =	swait.eq [sflag:s4], $0x1  }
0x94: {  	[sflag:s4] =	ssyncset.done $0x0  }
0x95: {  	[sflag:s4] =	ssyncadd.s32 $0xFFFFFFFF  }
0x96: {  	s17 =	sld [smem:$0x12];
	(tm) =	ssettm $0x1  }
0x97: {  	s18 =	sld [smem:$0x3FFB];
	_ =	sdelay $0x3  }
0x98: {  	_ =	strace s18  }
0x99: {  	s4 =	sld [smem:$0x3FFC];
	_ =	sdelay $0x3  }
0x9a: {  	_ =	strace s4  }
0x9b: {  	s4 =	sld [smem:$0x3FFD];
	_ =	sdelay $0x3  }
0x9c: {  	_ =	strace s4  }
0x9d: {  	_ =	strace $0x8FFFFFFF  }
0x9e: {  	s19 =	sld [smem:$0x3FDB];
	_ =	sdelay $0x1  }
0x9f: {  	s20 =	simm.s32 $_scs_section_size  }
0xa0: {  	s6 =	simm.s32 $_size__tile_overlayer_lowered;
	s7 =	simm.s32 $_tile_overlayer_lowered  }
0xa1: {  	s23 =	simm.s32 $0x1BFF;
	s22 =	sshll.u32 s7, $0x1;
	s4 =	sadd.s32 s20, s19  }
0xa2: {  	s8 =	simm.s32 $0x0;
	s21 =	sshll.u32 s6, $0x1;
	s6 =	sadd.s32 s22, s4  }
0xa3: {  	[timem:s8], [sflag:s23] =	dma.local [hbm:s6], s21  }
0xa4: {  	_ =	swait.ge [sflag:s23], s21  }
0xa5: {  	s5 =	ssub.s32 $0x0, s21;
	[sflag:s23] =	ssyncset.done $0x0  }
0xa6: {  	[sflag:s23] =	ssyncadd.s32 s5;
	_ =	sdelay $0x1  }
0xa7: {  	s24 =	simm.s32 $0x1B8B  }
0xa8: {  	_ =	swait.ge [sflag:s24], $0x1  }
0xa9: {  	[sflag:s24] =	ssyncset.done $0x0  }
0xaa: {  	s25 =	simm.s32 $0x1B8E;
	[sflag:s24] =	ssyncadd.s32 $0xFFFFFFFF  }
0xab: {  	s26 =	simm.s32 $execute0_lowered;
	[smem:$0x3FD2] =	sst s25  }
0xac: {  	s5 =	sshll.u32 s26, $0x1;
	_ =	strace $0x80000046;
	[dreg:$0x1] =	wrdreg $0xFFFFFFFF  }
0xad: {  	s28 =	simm.s32 $_size_execute0_lowered;
	s4 =	sadd.s32 s4, s5;
	[dreg:$0x0] =	wrdreg $0x0  }
0xae: {  	s5 =	sshll.u32 s28, $0x1;
	[dreg:$0x2] =	wrdreg s4  }
0xaf: {  	[dreg:$0x3] =	wrdreg s5  }
0xb0: {  	[dreg:$0x4] =	wrdreg $0xC0  }
0xb1: {  	_ =	task [dreg:s8], $0x5FFFF  }
0xb2: {  	[dreg:$0x1] =	wrdreg $0xFFFFFFFF  }
0xb3: {  	[dreg:$0x0] =	wrdreg $0x60  }
0xb4: {  	[dreg:$0x2] =	wrdreg s16  }
0xb5: {  	[dreg:$0x3] =	wrdreg s17  }
0xb6: {  	[dreg:$0x4] =	wrdreg $0x9  }
0xb7: {  	_ =	task.clear_ibuf [dreg:s8], $0x5FFFF;
	_ =	strace $0x90000046  }
0xb8: {  	s29 =	simm.s32 $0x9;
	_ =	strace $0x80000048  }
0xb9: {  	_ =	swait.ge [sflag:s29], $0x1  }
0xba: {  	[sflag:s29] =	ssyncadd.s32 $0xFFFFFFFF  }
0xbb: {  	_ =	strace $0x90000048  }
0xbc: {  	_ =	sfence  }
0xbd: {  	s30 =	sld [smem:$0x0];
	_ =	sdelay $0x2  }
0xbe: {  	s31 =	sshll.u32 s1, $0xD;
	s1 =	sshrl.u32 s1, $0x2  }
0xbf: {  	s3 =	sand.u32 $0x4000, s31;
	s1 =	sadd.s32 s1, s30  }
0xc0: {  	s0 =	sor.u32 s3, s0;
	s1 =	sshll.u32 s1, $0x11  }
0xc1: {  	s0 =	sor.u32 s1, s0  }
0xc2: {  	s0 =	sadd.s32 $0x8F2B, s0  }
0xc3: {  	[sflag:s0] =	ssyncadd.remote.s32 $0x1  }
0xc4: {  	_ =	sfence.sel $0xFFFF  }
0xc5: {  	[dreg:$0x0] =	wrdreg $0xFFFFFFFF;
	(pc) =	sbr.abs _section_cstart, $3  }
0xc6: {  	[dreg:$0x1] =	wrdreg $0xFFFFFFFF  }
0xc7: {  	_ =	task.clear_ibuf [dreg:s8], $0x2FFFF;
	_ =	strace $0x9FFFFFFF  }
0xc8: {  	(tm) =	ssettm $0x7FFFFFFF  }
0xc9: {  	_ =	shalt  }
tec
execute0_lowered:
.L_overlay_start_1:
0x0: {  	(tag) =	ssettag $0x1  }
0x1: {  	s1 =	rddreg [dreg:$0x0]  }
0x2: {  	s2 =	rddreg [dreg:$0x1]  }
0x3: {  	s0 =	srdreg.scid;
	s4 =	simm.s32 $0x0;
	s10 =	stileid.u32  }
0x4: {  	s28 =	simm.s32 $0x1C00;
	s29 =	simm.s32 $0x1;
	s30 =	simm.s32 $0x4  }
0x5: {  	s31 =	simm.s32 $0x8000;
	s0 =	sand.u32 $0x1, s0;
	[smem:$0x7FF] =	sst s4  }
0x6: {  	s6 =	sshll.u32 s10, $0x1;
	s7 =	sadd.s32 $0x80400, s2;
	s14 =	sadd.s32 $0xC0800, s1  }
0x7: {  	s17 =	sadd.s32 $0xC0800, s2;
	s8 =	sadd.s32 $0x100C00, s1;
	s9 =	sadd.s32 $0x100C00, s2  }
0x8: {  	s11 =	sadd.s32 $0x141000, s1;
	s12 =	sadd.s32 $0x141000, s2;
	s18 =	sadd.s32 $0x181400, s1  }
0x9: {  	s19 =	sadd.s32 $0x181400, s2;
	s15 =	sadd.s32 $0x1C1800, s1;
	s16 =	sadd.s32 $0x1C1800, s2  }
0xa: {  	s22 =	sadd.s32 $0x201C00, s1;
	s23 =	sadd.s32 $0x201C00, s2;
	s21 =	sadd.s32 $0x242000, s1  }
0xb: {  	s25 =	sadd.s32 $0x242000, s2;
	s10 =	sshll.u32 s10, $0x10;
	s13 =	sadd.s32 $0x40000, s1  }
0xc: {  	s24 =	sadd.s32 $0x282400, s1;
	s26 =	sadd.s32 $0x302C00, s2;
	s3 =	ssub.s32 $0x2, s0  }
0xd: {  	_ =	strace $0x80000047;
	[dreg:$0xc] =	wrdreg s26;
	s5 =	sshrl.u32 s3, $0x1  }
0xe: {  	s3 =	ssub.s32 s3, s5;
	s5 =	sor.u32 s0, s6;
	s0 =	sshll.u32 s0, $0xF  }
0xf: {  	s26 =	simm.s32 $0x1800;
	s6 =	sadd.s32 $0x80400, s1;
	s10 =	sor.u32 s0, s10  }
0x10: {  	p0 =	seq.s32 s5, $0x0;
	s0 =	sadd.s32 $0x40000, s2;
	s20 =	sshll.u32 s5, $0xC  }
0x11: {  	p4 =	seq.s32 s5, $0x6;
	p6 =	sgt.s32 s5, $0x8;
	p1 =	seq.s32 @!p0 s5, $0x1  }
0x12: {  	s6 =	smov.u32 @p0 s13;
	s7 =	smov.u32 @p0 s0;
	s0 =	sadd.s32 $0x282400, s2  }
0x13: {  	s13 =	sadd.s32 $0x2C2800, s1;
	s22 =	smov.u32 @p4 s15;
	s23 =	smov.u32 @p4 s16  }
0x14: {  	s15 =	simm.s32 $0x3;
	s16 =	simm.s32 $0x5;
	p2 =	por p0, p1  }
0x15: {  	p0 =	seq.s32 s5, $0x3;
	s14 =	smov.u32 @p2 s6;
	s17 =	smov.u32 @p2 s7  }
0x16: {  	s7 =	sadd.s32 $0x2C2800, s2;
	s11 =	smov.u32 @p0 s8;
	p1 =	seq.s32 @!p0 s5, $0x4  }
0x17: {  	s12 =	smov.u32 @p0 s9;
	p5 =	seq.s32 @!p2 s5, $0x2;
	[dreg:$0x3] =	wrdreg s14  }
0x18: {  	s6 =	simm.s32 $0x6;
	[dreg:$0x4] =	wrdreg s17;
	s17 =	sadd.s32 $0x302C00, s1  }
0x19: {  	p3 =	por p0, p1;
	p0 =	sgt.s32 s5, $0x5;
	p1 =	sgt.s32 s5, $0x2  }
0x1a: {  	p2 =	por p2, p5;
	p5 =	seq.s32 @!p4 s5, $0x7;
	[dreg:$0xb] =	wrdreg s17  }
0x1b: {  	s18 =	smov.u32 @p3 s11;
	s17 =	sadd.s32 s1, s20;
	s19 =	smov.u32 @p3 s12  }
0x1c: {  	s20 =	smax.u32 s3, $0x1;
	s3 =	simm.s32 @!p2 $0x0;
	[dreg:$0x5] =	wrdreg s18  }
0x1d: {  	[dreg:$0x6] =	wrdreg s19;
	s18 =	sadd.s32 $0x20000, s17;
	s3 =	simm.s32 @p2 $0x1  }
0x1e: {  	s19 =	sadd.s32 $0x40400, s17;
	p2 =	seq.s32 @!p3 s5, $0x5;
	[smem:$0x7FC] =	sst s3  }
0x1f: {  	p3 =	por p3, p2;
	p2 =	por p4, p5;
	p5 =	seq.s32 s5, $0x9  }
0x20: {  	s3 =	simm.s32 $0x2;
	s21 =	smov.u32 @p2 s22;
	s22 =	simm.s32 $0x800  }
0x21: {  	s25 =	smov.u32 @p2 s23;
	s23 =	simm.s32 $0xC00;
	s13 =	smov.u32 @p5 s24  }
0x22: {  	p4 =	seq.s32 @!p2 s5, $0x8;
	s7 =	smov.u32 @p5 s0;
	[dreg:$0x7] =	wrdreg s21  }
.Ltmp0:
0x23: {  	p4 =	por p2, p4;
	p2 =	seq.s32 @!p5 s5, $0xA;
	(pc) =	sbr.rel .LBB2_1-.Ltmp0, $4  }
0x24: {  	[dreg:$0x8] =	wrdreg s25;
	p5 =	por p5, p2;
	p2 =	seq.s32 s5, $0xB  }
0x25: {  	s24 =	simm.s32 $0x1000;
	[dreg:$0x9] =	wrdreg s13;
	s0 =	simm.s32 @!p2 $0x0  }
0x26: {  	[dreg:$0xa] =	wrdreg s7;
	s25 =	simm.s32 $0x1400;
	s0 =	simm.s32 @p2 $0x1  }
0x27: {  	s7 =	simm.s32 $0x0;
	[smem:$0x7FD] =	sst s0;
	s0 =	simm.s32 $0x10000  }
.LBB2_14:
0x28: {  	s7 =	sadd.s32 $0x1, s7  }
0x29: {  	p2 =	sne.s32 s7, s20  }
.Ltmp1:
0x2a: {  	_ = 	snop;
	(pc) =	sbr.rel @!p2 .LBB2_15-.Ltmp1, $4  }
0x2b: {  	_ = 	snop  }
0x2c: {  	_ =	swait.ge [sflag:s6], $0x8000  }
0x2d: {  	[sflag:s6] =	ssyncset.done $0x0  }
0x2e: {  	[sflag:s6] =	ssyncadd.s32 $0xFFFF8000  }
.LBB2_1:
.Ltmp2:
0x2f: {  	(pc) =	sbr.rel @p0 .LBB2_5-.Ltmp2, $1  }
0x30: {  	_ =	sdelay $0x3  }
.Ltmp3:
0x31: {  	(pc) =	sbr.rel @p1 .LBB2_4-.Ltmp3, $1  }
0x32: {  	_ =	sdelay $0x3  }
0x33: {  	s11 =	sld [smem:$0x7FC];
	_ =	sdelay $0x2  }
0x34: {  	p2 =	seq.s32 s11, $0x1  }
.Ltmp4:
0x35: {  	_ = 	snop;
	(pc) =	sbr.rel @p2 .LBB2_10-.Ltmp4, $4  }
.Ltmp5:
0x36: {  	_ = 	snop;
	(pc) =	sbr.rel @!p2 .LBB2_11-.Ltmp5, $4  }
0x37: {  	_ = 	snop  }
0x38: {  	s9 =	rddreg [dreg:$0x3]  }
0x39: {  	s8 =	rddreg [dreg:$0x4]  }
0x3a: {  	_ = 	snop  }
.LBB2_5:
.Ltmp6:
0x3b: {  	(pc) =	sbr.rel @p6 .LBB2_7-.Ltmp6, $1  }
0x3c: {  	_ =	sdelay $0x3  }
.Ltmp7:
0x3d: {  	(pc) =	sbr.rel @p4 .LBB2_10-.Ltmp7, $4  }
.Ltmp8:
0x3e: {  	(pc) =	sbr.rel @!p4 .LBB2_11-.Ltmp8, $4  }
0x3f: {  	_ = 	snop  }
0x40: {  	s9 =	rddreg [dreg:$0x7]  }
0x41: {  	s8 =	rddreg [dreg:$0x8]  }
0x42: {  	_ = 	snop  }
.LBB2_4:
.Ltmp9:
0x43: {  	(pc) =	sbr.rel @p3 .LBB2_10-.Ltmp9, $4  }
.Ltmp10:
0x44: {  	(pc) =	sbr.rel @!p3 .LBB2_11-.Ltmp10, $4  }
0x45: {  	_ = 	snop  }
0x46: {  	s9 =	rddreg [dreg:$0x5]  }
0x47: {  	s8 =	rddreg [dreg:$0x6]  }
0x48: {  	_ = 	snop  }
.LBB2_7:
.Ltmp11:
0x49: {  	(pc) =	sbr.rel @p5 .LBB2_10-.Ltmp11, $3  }
0x4a: {  	_ =	sdelay $0x1  }
0x4b: {  	s9 =	rddreg [dreg:$0x9]  }
0x4c: {  	s8 =	rddreg [dreg:$0xa]  }
0x4d: {  	s8 =	sld [smem:$0x7FD];
	_ =	sdelay $0x2  }
0x4e: {  	p2 =	seq.s32 s8, $0x1  }
.Ltmp12:
0x4f: {  	_ = 	snop;
	(pc) =	sbr.rel @!p2 .LBB2_11-.Ltmp12, $1  }
0x50: {  	_ =	sdelay $0x3  }
0x51: {  	s9 =	rddreg [dreg:$0xb]  }
0x52: {  	s8 =	rddreg [dreg:$0xc]  }
.LBB2_10:
0x53: {  	[tilespmem:s4], [sflag:$0x1] =	stream.linear.gather [hbm4b:s9+s4], $0x100, $0x38;
	[tilespmem:$0x18000] =	vst v63  }
0x54: {  	s11 =	sadd.s32 $0x80, s9;
	s12 =	simm.s32 $0x400  }
0x55: {  	[tilespmem:s12], [sflag:$0x1] =	stream.linear.gather [hbm4b:s11+s4], $0x100, $0x38;
	[tilespmem:$0x18000] =	vst v63  }
0x56: {  	s14 =	sadd.s32 $0x100, s9  }
0x57: {  	[tilespmem:s22], [sflag:$0x1] =	stream.linear.gather [hbm4b:s14+s4], $0x100, $0x38;
	[tilespmem:$0x18000] =	vst v63  }
0x58: {  	s21 =	sadd.s32 $0x180, s9  }
0x59: {  	[tilespmem:s23], [sflag:$0x1] =	stream.linear.gather [hbm4b:s21+s4], $0x100, $0x38;
	[tilespmem:$0x18000] =	vst v63  }
0x5a: {  	s13 =	sadd.s32 $0x200, s9  }
0x5b: {  	[tilespmem:s24], [sflag:$0x1] =	stream.linear.gather [hbm4b:s13+s4], $0x100, $0x38;
	[tilespmem:$0x18000] =	vst v63  }
0x5c: {  	s14 =	sadd.s32 $0x280, s9  }
0x5d: {  	[tilespmem:s25], [sflag:$0x1] =	stream.linear.gather [hbm4b:s14+s4], $0x100, $0x38;
	[tilespmem:$0x18000] =	vst v63  }
0x5e: {  	s21 =	sadd.s32 $0x300, s9  }
0x5f: {  	[tilespmem:s26], [sflag:$0x1] =	stream.linear.gather [hbm4b:s21+s4], $0x100, $0x38;
	[tilespmem:$0x18000] =	vst v63  }
0x60: {  	s13 =	sadd.s32 $0x380, s9  }
0x61: {  	[tilespmem:s28], [sflag:$0x1] =	stream.linear.gather [hbm4b:s13+s4], $0x100, $0x38;
	[tilespmem:$0x18000] =	vst v63  }
0x62: {  	_ =	swait.ge [sflag:s29], $0x800  }
0x63: {  	[sflag:s29] =	ssyncset.done $0x0  }
0x64: {  	[sflag:s29] =	ssyncadd.s32 $0xFFFFF800  }
0x65: {  	[hbm4b:s8+s4] =	stream.linear.scatter [tilespmem:s4], [sflag:$0x4], $0x100, $0x38;
	[tilespmem:$0x18000] =	vst v63  }
0x66: {  	s14 =	sadd.s32 $0x80, s8  }
0x67: {  	[hbm4b:s14+s4] =	stream.linear.scatter [tilespmem:s12], [sflag:$0x4], $0x100, $0x38;
	[tilespmem:$0x18000] =	vst v63  }
0x68: {  	s21 =	sadd.s32 $0x100, s8  }
0x69: {  	[hbm4b:s21+s4] =	stream.linear.scatter [tilespmem:s22], [sflag:$0x4], $0x100, $0x38;
	[tilespmem:$0x18000] =	vst v63  }
0x6a: {  	s11 =	sadd.s32 $0x180, s8  }
0x6b: {  	[hbm4b:s11+s4] =	stream.linear.scatter [tilespmem:s23], [sflag:$0x4], $0x100, $0x38;
	[tilespmem:$0x18000] =	vst v63  }
0x6c: {  	s12 =	sadd.s32 $0x200, s8  }
0x6d: {  	[hbm4b:s12+s4] =	stream.linear.scatter [tilespmem:s24], [sflag:$0x4], $0x100, $0x38;
	[tilespmem:$0x18000] =	vst v63  }
0x6e: {  	s13 =	sadd.s32 $0x280, s8  }
0x6f: {  	[hbm4b:s13+s4] =	stream.linear.scatter [tilespmem:s25], [sflag:$0x4], $0x100, $0x38;
	[tilespmem:$0x18000] =	vst v63  }
0x70: {  	s14 =	sadd.s32 $0x300, s8  }
0x71: {  	[hbm4b:s14+s4] =	stream.linear.scatter [tilespmem:s26], [sflag:$0x4], $0x100, $0x38;
	[tilespmem:$0x18000] =	vst v63  }
0x72: {  	s21 =	sadd.s32 $0x380, s8  }
0x73: {  	[hbm4b:s21+s4] =	stream.linear.scatter [tilespmem:s28], [sflag:$0x4], $0x100, $0x38;
	[tilespmem:$0x18000] =	vst v63  }
0x74: {  	_ =	swait.ge [sflag:s30], $0x800  }
0x75: {  	[sflag:s30] =	ssyncset.done $0x0  }
0x76: {  	[sflag:s30] =	ssyncadd.s32 $0xFFFFF800  }
.LBB2_11:
0x77: {  	[tilespmem:s4], [sflag:$0x1] =	stream.linear.gather [hbm4b:s17+s4], $0x8000, $0x38;
	[tilespmem:$0x18000] =	vst v63  }
0x78: {  	_ = 	snop  }
0x79: {  	[tilespmem:s31], [sflag:$0x2] =	stream.linear.gather [hbm4b:s18+s4], $0x8000, $0x38;
	[tilespmem:$0x18000] =	vst v63  }
0x7a: {  	s8 =	simm.s32 $0x80;
	s9 =	simm.s32 $0x1;
	s12 =	smov.u32 s10  }
0x7b: {  	[tilespmem:s0], [sflag:$0x3] =	stream.linear.gather [hbm4b:s19+s4], $0x8000, $0x38;
	[tilespmem:$0x18000] =	vst v63  }
.LBB2_12:
0x7c: {  	s11 =	sadd.s32 $0xFFFFFF80, s8  }
0x7d: {  	s11 =	sshrl.u32 s11, $0x6  }
0x7e: {  	s13 =	smul.u32 $0x202000, s11  }
0x7f: {  	s11 =	sand.u32 $0x1F8000, s12  }
0x80: {  	_ =	swait.ge [sflag:s29], $0x8000;
	s13 =	sadd.s32 s13, s11  }
0x81: {  	[sflag:s29] =	ssyncset.done $0x0;
	s13 =	sshrl.u32 s13, $0x3  }
0x82: {  	p2 =	seq.s32 s8, $0x80;
	[sflag:s29] =	ssyncadd.s32 $0xFFFF8000;
	s13 =	sadd.s32 s2, s13  }
0x83: {  	[hbm4b:s13+s4] =	stream.linear.scatter [tilespmem:s4], [sflag:$0x4], $0x8000, $0x38;
	[tilespmem:$0x18000] =	vst v63  }
0x84: {  	s13 =	sadd.s32 @!p2 $0xFFFFFFC0, s8  }
0x85: {  	s13 =	sshrl.u32 @!p2 s13, $0x6  }
0x86: {  	s13 =	smul.u32 @!p2 $0x202000, s13  }
0x87: {  	s14 =	simm.s32 @!p2 $0x6  }
0x88: {  	_ =	swait.ge @!p2 [sflag:s14], $0x8000;
	s13 =	sadd.s32 @!p2 s11, s13  }
0x89: {  	s21 =	simm.s32 @!p2 $0x10000;
	[sflag:s14] =	ssyncset.done @!p2 $0x0;
	s13 =	sshrl.u32 @!p2 s13, $0x3  }
0x8a: {  	[sflag:s14] =	ssyncadd.s32 @!p2 $0xFFFF8000;
	s14 =	simm.s32 @!p2 $0x0;
	s13 =	sadd.s32 @!p2 s1, s13  }
0x8b: {  	[tilespmem:s21], [sflag:$0x3] =	stream.linear.gather @!p2 [hbm4b:s13+s14], $0x8000, $0x38;
	[tilespmem:$0x18000] =	vst v63  }
0x8c: {  	s14 =	sadd.s32 $0xFFFFFFA0, s8  }
0x8d: {  	s21 =	sshrl.u32 s9, $0x1;
	s13 =	sand.u32 $0x20, s14  }
0x8e: {  	s14 =	smul.u32 $0x202000, s21;
	s13 =	sor.u32 s5, s13  }
0x8f: {  	s13 =	sshll.u32 s13, $0xF  }
0x90: {  	_ =	swait.ge [sflag:s3], $0x8000;
	s13 =	sadd.s32 s14, s13  }
0x91: {  	[sflag:s3] =	ssyncset.done $0x0;
	s13 =	sshrl.u32 s13, $0x3  }
0x92: {  	p2 =	seq.s32 s8, $0x320;
	[sflag:s3] =	ssyncadd.s32 $0xFFFF8000;
	s13 =	sadd.s32 s2, s13  }
0x93: {  	[hbm4b:s13+s4] =	stream.linear.scatter [tilespmem:s31], [sflag:$0x5], $0x8000, $0x38;
	[tilespmem:$0x18000] =	vst v63  }
0x94: {  	s13 =	sadd.s32 @!p2 $0xFFFFFFE0, s8  }
0x95: {  	s14 =	sshrl.u32 @!p2 s13, $0x6;
	s13 =	sand.u32 @!p2 $0x20, s13  }
0x96: {  	s14 =	smul.u32 @!p2 $0x202000, s14;
	s13 =	sor.u32 @!p2 s5, s13  }
0x97: {  	_ =	swait.ge [sflag:s30], $0x8000;
	s13 =	sshll.u32 @!p2 s13, $0xF  }
0x98: {  	s21 =	sadd.s32 $0xFFFFFFC0, s8;
	[sflag:s30] =	ssyncset.done $0x0;
	s13 =	sadd.s32 @!p2 s14, s13  }
0x99: {  	[sflag:s30] =	ssyncadd.s32 $0xFFFF8000;
	s14 =	sshrl.u32 s21, $0x6;
	s13 =	sshrl.u32 @!p2 s13, $0x3  }
0x9a: {  	s21 =	simm.s32 @!p2 $0x0;
	s14 =	smul.u32 $0x202000, s14;
	s13 =	sadd.s32 @!p2 s1, s13  }
0x9b: {  	[tilespmem:s21], [sflag:$0x1] =	stream.linear.gather @!p2 [hbm4b:s13+s21], $0x8000, $0x38;
	[tilespmem:$0x18000] =	vst v63  }
0x9c: {  	s21 =	sadd.s32 s11, s14;
	_ =	swait.ge [sflag:s15], $0x8000  }
0x9d: {  	s13 =	sshrl.u32 s21, $0x3;
	[sflag:s15] =	ssyncset.done $0x0  }
.Ltmp13:
0x9e: {  	s13 =	sadd.s32 s2, s13;
	[sflag:s15] =	ssyncadd.s32 $0xFFFF8000;
	(pc) =	sbr.rel @p2 .LBB2_14-.Ltmp13, $4  }
0x9f: {  	[hbm4b:s13+s4] =	stream.linear.scatter [tilespmem:s0], [sflag:$0x6], $0x8000, $0x38;
	[tilespmem:$0x18000] =	vst v63  }
0xa0: {  	_ =	swait.ge [sflag:s16], $0x8000  }
0xa1: {  	[sflag:s16] =	ssyncset.done $0x0  }
0xa2: {  	[sflag:s16] =	ssyncadd.s32 $0xFFFF8000  }
0xa3: {  	s13 =	sshrl.u32 s8, $0x6  }
0xa4: {  	s13 =	smul.u32 $0x202000, s13  }
.Ltmp14:
0xa5: {  	_ = 	snop;
	(pc) =	sbr.rel .LBB2_12-.Ltmp14, $4  }
0xa6: {  	s11 =	sadd.s32 s11, s13  }
0xa7: {  	s12 =	sadd.s32 $0x300000, s12;
	s11 =	sshrl.u32 s11, $0x3  }
0xa8: {  	s8 =	sadd.s32 $0x60, s8;
	s9 =	sadd.s32 $0x3, s9;
	s11 =	sadd.s32 s1, s11  }
0xa9: {  	[tilespmem:s31], [sflag:$0x2] =	stream.linear.gather [hbm4b:s11+s4], $0x8000, $0x38;
	[tilespmem:$0x18000] =	vst v63  }
.LBB2_15:
0xaa: {  	_ =	sfence.sel $0x180000  }
0xab: {  	[bflag:$0x0] =	sbarrier.arrive $0xFFFF  }
0xac: {  	_ =	strace $0x90000047  }
0xad: {  	s0 =	stileid.u32;
	[bflag:$0x2] =	sbarrier.arrive $0xFFFF  }
0xae: {  	p0 =	sne.s32 s0, $0x0;
	s0 =	rddreg [dreg:$0x2]  }
0xaf: {  	s0 =	sadd.s32 @!p0 $0x100000, s0  }
0xb0: {  	[sflag:s0] =	ssyncadd.tile.s32 @!p0 $0x1;
	_ =	shalt  }
.Lfunc_end2:
_tile_overlayer_lowered:
.L_overlay_start_2:
0xb1: {  	(tag) =	ssettag $0x2  }
0xb2: {  	s0 =	rddreg [dreg:$0x0];
	s2 =	stileid.u32  }
0xb3: {  	s1 =	rddreg [dreg:$0x1];
	p0 =	sne.s32 s2, $0x0  }
0xb4: {  	s3 =	rddreg [dreg:$0x2];
	[bflag:$0x3] =	sbarrier.arrive $0xFFFF;
	s2 =	simm.s32 @!p0 $0x1C07  }
0xb5: {  	[timem:s3], [sflag:s2] =	dma.local @!p0 [hbm:s0], s1  }
0xb6: {  	s0 =	simm.s32 @!p0 $0x7  }
0xb7: {  	_ =	swait.ge @!p0 [sflag:s0], s1  }
0xb8: {  	s1 =	ssub.s32 @!p0 $0x0, s1;
	[sflag:s0] =	ssyncset.done @!p0 $0x0  }
0xb9: {  	[sflag:s0] =	ssyncadd.s32 @!p0 s1  }
0xba: {  	[bflag:$0x3] =	sbarrier.arrive $0xFFFF  }
0xbb: {  	_ =	shalt  }

</sc_bundles>
